<compile_context>
chip_gen: v7x
topology: tpu7x:2x2x1
jax: 0.10.2.dev20260603
libtpu: 0.0.44.dev20260713+nightly
codegen_flags: <defaults>
</compile_context>

<pallas_src>
import functools

import jax
import jax.numpy as jnp
from jax import lax
from jax.experimental import pallas as pl
from jax.experimental.pallas import tpu as pltpu
from jax.experimental.pallas import tpu_sc as plsc

N = 10000
E = 320000
H = 64
NW = 32
EPW = E // NW
C = 48
NFULL = EPW // C
TAIL = EPW - NFULL * C
NP = 10240
RPT = NP // 16
RB = 40
F32 = jnp.float32



B_IN = (C * H + C * 2 * H + C * H) * 4
B_OUT = (C * 2 * H + C * H) * 4


def _sc_body(ce_hbm, tsrc_hbm, teh_hbm, src_hbm, dst_hbm,
             eij_hbm, acc_hbm, bnp_hbm,
             idxs0, idxs1, idxd0, idxd1, idxt_s, idxt_d,
             ce0, ce1, g1_0, g1_1, g2_0, g2_1, bnbuf,
             acc_sh, ces0, ces1, g1s0, g1s1, g2s0, g2s1,
             ejs0, ejs1, scs0, scs1):
    ce_b = (ce0, ce1)
    g1_b = (g1_0, g1_1)
    g2_b = (g2_0, g2_1)
    idxs_b = (idxs0, idxs1)
    idxd_b = (idxd0, idxd1)
    ce_s = (ces0, ces1)
    g1_s = (g1s0, g1s1)
    g2_s = (g2s0, g2s1)
    ej_s = (ejs0, ejs1)
    sc_s = (scs0, scs1)
    ci = lax.axis_index("c")
    si = lax.axis_index("s")
    wid = ci * 16 + si
    ebase = wid * EPW
    zero16 = jnp.zeros((16,), F32)
    stage = g1_0

    def zrow(j, _):
        for k in range(8):
            stage[j, pl.ds(k * 16, 16)] = zero16
        return 0
    lax.fori_loop(0, RB, zrow, 0)
    for t in range(RPT // RB):
        pltpu.sync_copy(stage.at[pl.ds(0, RB)],
                        acc_sh.at[pl.ds(si * RPT + t * RB, RB)])
    for j in range(8):
        for k in range(8):
            bnbuf[j, pl.ds(k * 16, 16)] = zero16
    plsc.subcore_barrier()

    def wait_in(b):
        pltpu.make_async_copy(ce_hbm.at[pl.ds(0, C)], ce_b[b],
                              ce_s[b]).wait()
        pltpu.make_async_copy(tsrc_hbm.at[idxs_b[b]], g1_b[b],
                              g1_s[b]).wait()
        pltpu.make_async_copy(teh_hbm.at[idxd_b[b]], g2_b[b],
                              g2_s[b]).wait()

    def wait_out(b):
        pltpu.make_async_copy(ce_b[b], eij_hbm.at[pl.ds(0, C)],
                              ej_s[b]).wait()
        pltpu.make_async_copy(g1_b[b], acc_sh.at[idxd_b[b]],
                              sc_s[b]).wait()

    def issue_in(g, b):
        base = ebase + g * C
        pltpu.sync_copy(src_hbm.at[pl.ds(base, C)], idxs_b[b])
        pltpu.sync_copy(dst_hbm.at[pl.ds(base, C)], idxd_b[b])
        pltpu.async_copy(ce_hbm.at[pl.ds(base, C)], ce_b[b], ce_s[b])
        pltpu.async_copy(tsrc_hbm.at[idxs_b[b]], g1_b[b], g1_s[b])
        pltpu.async_copy(teh_hbm.at[idxd_b[b]], g2_b[b], g2_s[b])

    def compute(b, cnt):
        cev, g1v, g2v = ce_b[b], g1_b[b], g2_b[b]

        def row(j, acc):
            sums, sqs = [], []
            for k in range(4):
                x = (cev[j, pl.ds(k * 16, 16)]
                     + g1v[j, pl.ds(k * 16, 16)]
                     + g2v[j, pl.ds(k * 16, 16)])
                cev[j, pl.ds(k * 16, 16)] = x
                sums.append(acc[k] + x)
                sqs.append(acc[4 + k] + x * x)
                s = 1.0 / (1.0 + jnp.exp(-x))
                sb = s * g1v[j, pl.ds(64 + k * 16, 16)]
                g1v[j, pl.ds(k * 16, 16)] = sb
                g1v[j, pl.ds(64 + k * 16, 16)] = s
            return tuple(sums) + tuple(sqs)

        accs = plsc.parallel_loop(0, cnt, unroll=2,
                                  carry=(zero16,) * 8)(row)
        for k in range(4):
            bnbuf[0, pl.ds(k * 16, 16)] = (bnbuf[0, pl.ds(k * 16, 16)]
                                           + accs[k])
            bnbuf[0, pl.ds(64 + k * 16, 16)] = (
                bnbuf[0, pl.ds(64 + k * 16, 16)] + accs[4 + k])

    def issue_out(g, b):
        base = ebase + g * C
        pltpu.async_copy(ce_b[b], eij_hbm.at[pl.ds(base, C)], ej_s[b])
        pltpu.async_copy(g1_b[b], acc_sh.at[idxd_b[b]], sc_s[b], add=True)

    issue_in(0, 0)

    def step(t, _):
        for goff in (0, 1):
            b = goff
            g = 2 * t + goff
            if goff == 0:
                @pl.when(t >= 1)
                def _():
                    wait_out(1)
                issue_in(g + 1, 1)
            else:
                @pl.when(t < NFULL // 2 - 1)
                def _():
                    wait_out(0)
                    issue_in(g + 1, 0)
            wait_in(b)
            compute(b, C)
            issue_out(g, b)
        return 0

    lax.fori_loop(0, NFULL // 2, step, 0)
    wait_out(0)
    wait_out(1)

    tbase = ebase + NFULL * C
    pltpu.sync_copy(src_hbm.at[pl.ds(tbase, TAIL)], idxt_s)
    pltpu.sync_copy(dst_hbm.at[pl.ds(tbase, TAIL)], idxt_d)
    pltpu.sync_copy(ce_hbm.at[pl.ds(tbase, TAIL)], ce0.at[pl.ds(0, TAIL)])
    cpa = pltpu.async_copy(tsrc_hbm.at[idxt_s], g1_0.at[pl.ds(0, TAIL)],
                           g1s0)
    cpb = pltpu.async_copy(teh_hbm.at[idxt_d], g2_0.at[pl.ds(0, TAIL)],
                           g2s0)
    cpa.wait()
    cpb.wait()
    compute(0, TAIL)
    pltpu.sync_copy(ce0.at[pl.ds(0, TAIL)], eij_hbm.at[pl.ds(tbase, TAIL)])
    pltpu.sync_copy(g1_0.at[pl.ds(0, TAIL)], acc_sh.at[idxt_d], add=True)

    pltpu.sync_copy(bnbuf, bnp_hbm.at[wid])
    plsc.subcore_barrier()
    for t in range(RPT // RB):
        r = si * RPT + t * RB
        pltpu.sync_copy(acc_sh.at[pl.ds(r, RB)], stage.at[pl.ds(0, RB)])
        pltpu.sync_copy(stage.at[pl.ds(0, RB)],
                        acc_hbm.at[pl.ds(ci * NP + r, RB)])


def _make_sc():
    mesh = plsc.VectorSubcoreMesh(core_axis_name="c", subcore_axis_name="s")
    outs = (jax.ShapeDtypeStruct((E, H), F32),
            jax.ShapeDtypeStruct((2 * NP, 128), F32),
            jax.ShapeDtypeStruct((NW, 8, 128), F32))
    scratch = [
        pltpu.VMEM((C,), jnp.int32),
        pltpu.VMEM((C,), jnp.int32),
        pltpu.VMEM((C,), jnp.int32),
        pltpu.VMEM((C,), jnp.int32),
        pltpu.VMEM((TAIL,), jnp.int32),
        pltpu.VMEM((TAIL,), jnp.int32),
        pltpu.VMEM((C, H), F32),
        pltpu.VMEM((C, H), F32),
        pltpu.VMEM((C, 2 * H), F32),
        pltpu.VMEM((C, 2 * H), F32),
        pltpu.VMEM((C, 2 * H), F32),
        pltpu.VMEM((C, 2 * H), F32),
        pltpu.VMEM((8, 128), F32),
        pltpu.VMEM_SHARED((NP, 128), F32),
    ] + [pltpu.SemaphoreType.DMA] * 10
    return pl.kernel(_sc_body, out_type=outs, mesh=mesh,
                     scratch_types=scratch)


_sc_mid = _make_sc()



_EB = 8000


def _edge_first_body(ef, we, be, cw, cb, e0, ce):
    e = ef[...] @ we[...] + be[...]
    e0[...] = e
    ce[...] = e @ cw[...] + cb[...]


def _edge_first(batch_ef, W_e, b_e, C_w0, C_b0):
    return pl.pallas_call(
        _edge_first_body,
        grid=(E // _EB,),
        in_specs=[
            pl.BlockSpec((_EB, 16), lambda i: (i, 0)),
            pl.BlockSpec((16, H), lambda i: (0, 0)),
            pl.BlockSpec((1, H), lambda i: (0, 0)),
            pl.BlockSpec((H, H), lambda i: (0, 0)),
            pl.BlockSpec((1, H), lambda i: (0, 0)),
        ],
        out_specs=[pl.BlockSpec((_EB, H), lambda i: (i, 0)),
                   pl.BlockSpec((_EB, H), lambda i: (i, 0))],
        out_shape=[jax.ShapeDtypeStruct((E, H), F32)] * 2,
    )(batch_ef, W_e, b_e.reshape(1, H), C_w0, C_b0.reshape(1, H))


def _edge_update_body(ein, eij, ss, cw, cb, eout, ce):
    e = ein[...] + jnp.maximum(eij[...] * ss[0:1, :] + ss[1:2, :], 0.0)
    eout[...] = e
    ce[...] = e @ cw[...] + cb[...]


def _edge_update(e_in, eij, ss, C_wn, C_bn):
    return pl.pallas_call(
        _edge_update_body,
        grid=(E // _EB,),
        in_specs=[
            pl.BlockSpec((_EB, H), lambda i: (i, 0)),
            pl.BlockSpec((_EB, H), lambda i: (i, 0)),
            pl.BlockSpec((2, H), lambda i: (0, 0)),
            pl.BlockSpec((H, H), lambda i: (0, 0)),
            pl.BlockSpec((1, H), lambda i: (0, 0)),
        ],
        out_specs=[pl.BlockSpec((_EB, H), lambda i: (i, 0)),
                   pl.BlockSpec((_EB, H), lambda i: (i, 0))],
        out_shape=[jax.ShapeDtypeStruct((E, H), F32)] * 2,
    )(e_in, eij, ss, C_wn, C_bn.reshape(1, H))


def _proj(h, w, b):
    return h @ w[...] + b[...]


def _node_prep_body(nf, wh, bh, aw, ab, bw, bb, dw, db, ew, eb,
                    h0, ah, tsrc, teh):
    h = nf[...] @ wh[...] + bh[...]
    h0[...] = h
    ah[...] = _proj(h, aw, ab)
    tsrc[...] = jnp.concatenate([_proj(h, dw, db), _proj(h, bw, bb)], axis=1)
    ehp = _proj(h, ew, eb)
    teh[...] = jnp.concatenate([ehp, jnp.zeros_like(ehp)], axis=1)


def _node_prep(batch_nf, W_h, b_h, aw, ab, bw, bb, dw, db, ew, eb):
    return pl.pallas_call(
        _node_prep_body,
        out_shape=[jax.ShapeDtypeStruct((N, H), F32),
                   jax.ShapeDtypeStruct((N, H), F32),
                   jax.ShapeDtypeStruct((N, 2 * H), F32),
                   jax.ShapeDtypeStruct((N, 2 * H), F32)],
    )(batch_nf, W_h, b_h.reshape(1, H), aw, ab.reshape(1, H),
      bw, bb.reshape(1, H), dw, db.reshape(1, H), ew, eb.reshape(1, H))


def _h_step(acc, ah, hin, g, b):
    num = acc[:N, :H] + acc[NP:NP + N, :H]
    den = acc[:N, H:] + acc[NP:NP + N, H:]
    hagg = ah[...] + num / (den + 1e-6)
    m = jnp.mean(hagg, axis=0, keepdims=True)
    v = jnp.mean((hagg - m) ** 2, axis=0, keepdims=True)
    hn = (hagg - m) / jnp.sqrt(v + 1e-5) * g[...] + b[...]
    return hin[...] + jnp.maximum(hn, 0.0)


def _node_update_body(acc, ah, hin, hg, hb, bnp, eg, ebta,
                      aw, ab, bw, bb, dw, db, ew, eb,
                      hout, ahn, tsrc, teh, ss):
    acc_ = acc[...]
    h = _h_step(acc_, ah, hin, hg, hb)
    hout[...] = h
    ahn[...] = _proj(h, aw, ab)
    tsrc[...] = jnp.concatenate([_proj(h, dw, db), _proj(h, bw, bb)], axis=1)
    ehp = _proj(h, ew, eb)
    teh[...] = jnp.concatenate([ehp, jnp.zeros_like(ehp)], axis=1)
    bnp2 = bnp[...].reshape(NW * 8, 128)
    esum = jnp.sum(bnp2[:, :H], axis=0, keepdims=True)
    esq = jnp.sum(bnp2[:, H:], axis=0, keepdims=True)
    em = esum / E
    ev = esq / E - em * em
    rstd = 1.0 / jnp.sqrt(ev + 1e-5)
    scale = eg[...] * rstd
    shift = ebta[...] - em * scale
    ss[...] = jnp.concatenate([scale, shift], axis=0)


def _node_update(acc, ah, hin, hg, hb, bnp, eg, ebta,
                 aw, ab, bw, bb, dw, db, ew, eb):
    return pl.pallas_call(
        _node_update_body,
        out_shape=[jax.ShapeDtypeStruct((N, H), F32),
                   jax.ShapeDtypeStruct((N, H), F32),
                   jax.ShapeDtypeStruct((N, 2 * H), F32),
                   jax.ShapeDtypeStruct((N, 2 * H), F32),
                   jax.ShapeDtypeStruct((2, H), F32)],
    )(acc, ah, hin, hg.reshape(1, H), hb.reshape(1, H), bnp,
      eg.reshape(1, H), ebta.reshape(1, H),
      aw, ab.reshape(1, H), bw, bb.reshape(1, H),
      dw, db.reshape(1, H), ew, eb.reshape(1, H))


def _node_final_body(acc, ah, hin, hg, hb, r0w, r0b, r1w, r1b, r2w, r2b, y):
    h = _h_step(acc[...], ah, hin, hg, hb)
    t = jnp.maximum(h @ r0w[...] + r0b[...], 0.0)
    t = jnp.maximum(t @ r1w[...] + r1b[...], 0.0)
    y[...] = t @ r2w[...] + r2b[...]


def _node_final(acc, ah, hin, hg, hb, r0w, r0b, r1w, r1b, r2w, r2b):
    return pl.pallas_call(
        _node_final_body,
        out_shape=jax.ShapeDtypeStruct((N, 10), F32),
    )(acc, ah, hin, hg.reshape(1, H), hb.reshape(1, H),
      r0w, r0b.reshape(1, H // 2), r1w, r1b.reshape(1, H // 4),
      r2w, r2b.reshape(1, 10))



def kernel(batch_nf, batch_ef, W_h, b_h, W_e, b_e, A_w, A_b, B_w, B_b, C_w,
           C_b, D_w, D_b, E_w, E_b, bn_h_g, bn_h_b, bn_e_g, bn_e_b, R0_w,
           R0_b, R1_w, R1_b, R2_w, R2_b, edge_index):
    src = edge_index[0]
    dst = edge_index[1]
    e_prev, ce = _edge_first(batch_ef, W_e, b_e, C_w[0], C_b[0])
    h, ah, tsrc, teh = _node_prep(batch_nf, W_h, b_h,
                                  A_w[0], A_b[0], B_w[0], B_b[0],
                                  D_w[0], D_b[0], E_w[0], E_b[0])
    for l in range(3):
        eij, acc, bnp = _sc_mid(ce, tsrc, teh, src, dst)
        h, ah, tsrc, teh, ss = _node_update(
            acc, ah, h, bn_h_g[l], bn_h_b[l], bnp, bn_e_g[l], bn_e_b[l],
            A_w[l + 1], A_b[l + 1], B_w[l + 1], B_b[l + 1],
            D_w[l + 1], D_b[l + 1], E_w[l + 1], E_b[l + 1])
        e_prev, ce = _edge_update(e_prev, eij, ss, C_w[l + 1], C_b[l + 1])
    _, acc, _ = _sc_mid(ce, tsrc, teh, src, dst)
    return _node_final(acc, ah, h, bn_h_g[3], bn_h_b[3],
                       R0_w, R0_b, R1_w, R1_b, R2_w, R2_b)


def _tiny_sc_make():
    mesh = plsc.VectorSubcoreMesh(core_axis_name="c", subcore_axis_name="s")
    def body(x_hbm, o_hbm, buf, sem):
        si = lax.axis_index("s")
        @pl.when((si == 0) & (lax.axis_index("c") == 0))
        def _():
            pltpu.sync_copy(x_hbm, buf)
            pltpu.sync_copy(buf, o_hbm)
    return pl.kernel(body, out_type=jax.ShapeDtypeStruct((8, 128), F32),
                     mesh=mesh,
                     scratch_types=[pltpu.VMEM((8, 128), F32),
                                    pltpu.SemaphoreType.DMA])


_tiny_sc = _tiny_sc_make()


def _probe_kernel(batch_nf, batch_ef, W_h, b_h, W_e, b_e, A_w, A_b, B_w, B_b,
                  C_w, C_b, D_w, D_b, E_w, E_b, bn_h_g, bn_h_b, bn_e_g,
                  bn_e_b, R0_w, R0_b, R1_w, R1_b, R2_w, R2_b, edge_index):
    x = batch_nf[:8, :]
    for _ in range(4):
        x = _tiny_sc(x)
    y = jnp.zeros((N, 10), F32) + x[0, 0]
    return y


kernel = _probe_kernel

# --- scband reference (transcript-rebuilt; emitter-appended) ---
"""Pipeline reference for scband-gated-gcn-17841294147739 (READ-ONLY COPY).

The authoritative reference and input builder live on the scoring server;
editing this copy changes nothing except your own understanding.
"""

import jax, jax.numpy as jnp
import numpy as np

N = 10000
E = 320000
D_IN = 128
D_E = 16
H = 64
L = 4
NC = 10


def _bn(x, g, b, eps=1e-5):
    m = jnp.mean(x, axis=0)
    v = jnp.mean((x - m) ** 2, axis=0)
    return (x - m) / jnp.sqrt(v + eps) * g + b


def _forward(f, edge_index):
    src = edge_index[0]
    dst = edge_index[1]
    # input embeddings
    h = f['batch_nf'] @ f['W_h'] + f['b_h']
    e = f['batch_ef'] @ f['W_e'] + f['b_e']
    for l in range(L):
        h_in, e_in = h, e
        Ah = h @ f['A_w'][l] + f['A_b'][l]
        Bh = h @ f['B_w'][l] + f['B_b'][l]
        Dh = h @ f['D_w'][l] + f['D_b'][l]
        Eh = h @ f['E_w'][l] + f['E_b'][l]
        Ce = e @ f['C_w'][l] + f['C_b'][l]
        # per-edge gate logits: e_ij = C e_ij + D h_src + E h_dst (DGL u_add_v + copy_e)
        e_ij = Ce + Dh[src] + Eh[dst]
        sigma = jax.nn.sigmoid(e_ij)
        # gated aggregation at destination nodes
        num = jax.ops.segment_sum(sigma * Bh[src], dst, num_segments=N)
        den = jax.ops.segment_sum(sigma, dst, num_segments=N)
        h_new = Ah + num / (den + 1e-6)
        h_new = _bn(h_new, f['bn_h_g'][l], f['bn_h_b'][l])
        e_new = _bn(e_ij, f['bn_e_g'][l], f['bn_e_b'][l])
        h = h_in + jax.nn.relu(h_new)
        e = e_in + jax.nn.relu(e_new)
    # MLPReadout (L=2): 64 -> 32 -> 16 -> NC
    y = jax.nn.relu(h @ f['R0_w'] + f['R0_b'])
    y = jax.nn.relu(y @ f['R1_w'] + f['R1_b'])
    y = y @ f['R2_w'] + f['R2_b']
    return y


def setup_inputs(seed: int = 0):
    key = jax.random.key(seed)
    ks = iter(jax.random.split(key, 64))
    def rn(shape, scale):
        return jax.random.normal(next(ks), shape, dtype=jnp.float32) * scale
    inp = {}
    inp['batch_nf'] = rn((N, D_IN), 1.0)
    inp['batch_ef'] = rn((E, D_E), 1.0)
    inp['edge_index'] = jax.random.randint(next(ks), (2, E), 0, N, dtype=jnp.int32)
    inp['W_h'] = rn((D_IN, H), D_IN ** -0.5)
    inp['b_h'] = jnp.zeros((H,), jnp.float32)
    inp['W_e'] = rn((D_E, H), D_E ** -0.5)
    inp['b_e'] = jnp.zeros((H,), jnp.float32)
    for nm in ['A', 'B', 'C', 'D', 'E']:
        inp[nm + '_w'] = rn((L, H, H), H ** -0.5)
        inp[nm + '_b'] = jnp.zeros((L, H), jnp.float32)
    inp['bn_h_g'] = jnp.ones((L, H), jnp.float32)
    inp['bn_h_b'] = jnp.zeros((L, H), jnp.float32)
    inp['bn_e_g'] = jnp.ones((L, H), jnp.float32)
    inp['bn_e_b'] = jnp.zeros((L, H), jnp.float32)
    inp['R0_w'] = rn((H, H // 2), H ** -0.5)
    inp['R0_b'] = jnp.zeros((H // 2,), jnp.float32)
    inp['R1_w'] = rn((H // 2, H // 4), (H // 2) ** -0.5)
    inp['R1_b'] = jnp.zeros((H // 4,), jnp.float32)
    inp['R2_w'] = rn((H // 4, NC), (H // 4) ** -0.5)
    inp['R2_b'] = jnp.zeros((NC,), jnp.float32)
    return inp


def reference(batch_nf, batch_ef, W_h, b_h, W_e, b_e, A_w, A_b, B_w, B_b, C_w, C_b, D_w, D_b, E_w, E_b, bn_h_g, bn_h_b, bn_e_g, bn_e_b, R0_w, R0_b, R1_w, R1_b, R2_w, R2_b, edge_index):
    f = dict(batch_nf=batch_nf, batch_ef=batch_ef, W_h=W_h, b_h=b_h, W_e=W_e, b_e=b_e,
             A_w=A_w, A_b=A_b, B_w=B_w, B_b=B_b, C_w=C_w, C_b=C_b, D_w=D_w, D_b=D_b,
             E_w=E_w, E_b=E_b, bn_h_g=bn_h_g, bn_h_b=bn_h_b, bn_e_g=bn_e_g, bn_e_b=bn_e_b,
             R0_w=R0_w, R0_b=R0_b, R1_w=R1_w, R1_b=R1_b, R2_w=R2_w, R2_b=R2_b)
    return _forward(f, edge_index)

if __name__ == "__main__":
    import jax
    _d = setup_inputs()
    print(jax.jit(kernel)(*tuple(_d.values())))

</pallas_src>

<mosaic_0001>
#map = affine_map<(d0, d1) -> (0, 0)>
module attributes {stable_mosaic.version = 14 : i64} {
  func.func @body(%arg0: i32, %arg1: i32, %arg2: memref<8x128xf32, #tpu.memory_space<hbm>>, %arg3: memref<8x128xf32, #tpu.memory_space<hbm>>, %arg4: memref<8x128xf32, #tpu.memory_space<vmem>>, %arg5: memref<!tpu.dma_semaphore, #tpu.memory_space<semaphore_mem>>) attributes {dimension_semantics = [#tpu.dimension_semantics<core_parallel>, #tpu.dimension_semantics<subcore_parallel>], iteration_bounds = array<i64: 2, 16>, scalar_prefetch = 0 : i64, scratch_operands = 2 : i64, tpu.core_type = #tpu.core_type<sc_vector_subcore>, window_params = [{transform_indices = #map}, {transform_indices = #map}]} {
    %eq3A = arith.constant 0 : i32
    %eq3A_0 = arith.cmpi eq, %arg1, %eq3A : i32
    %eq3A_1 = arith.constant 0 : i32
    %eq3A_2 = arith.cmpi eq, %arg0, %eq3A_1 : i32
    %and3A = arith.andi %eq3A_0, %eq3A_2 : i1
    %convert_element_type3A = arith.extui %and3A : i1 to i32
    %cond3A = arith.constant 0 : i32
    %cond3A_3 = arith.cmpi ne, %convert_element_type3A, %cond3A : i32
    scf.if %cond3A_3 {
      "tpu.region"() ({
        %run_scoped3A = tpu.sem_alloc : memref<!tpu.dma_semaphore, #tpu.memory_space<semaphore_mem>>
        tpu.enqueue_dma source(%arg2 : memref<8x128xf32, #tpu.memory_space<hbm>>) target(%arg4 : memref<8x128xf32, #tpu.memory_space<vmem>>) target_semaphore(%run_scoped3A : memref<!tpu.dma_semaphore, #tpu.memory_space<semaphore_mem>>)
        tpu.wait_dma2 semaphore(%run_scoped3A : memref<!tpu.dma_semaphore, #tpu.memory_space<semaphore_mem>>) src(%arg2 : memref<8x128xf32, #tpu.memory_space<hbm>>) dst(%arg4 : memref<8x128xf32, #tpu.memory_space<vmem>>)
        tpu.yield
      }) : () -> ()
      "tpu.region"() ({
        %run_scoped3A = tpu.sem_alloc : memref<!tpu.dma_semaphore, #tpu.memory_space<semaphore_mem>>
        tpu.enqueue_dma source(%arg4 : memref<8x128xf32, #tpu.memory_space<vmem>>) target(%arg3 : memref<8x128xf32, #tpu.memory_space<hbm>>) target_semaphore(%run_scoped3A : memref<!tpu.dma_semaphore, #tpu.memory_space<semaphore_mem>>)
        tpu.wait_dma2 semaphore(%run_scoped3A : memref<!tpu.dma_semaphore, #tpu.memory_space<semaphore_mem>>) src(%arg4 : memref<8x128xf32, #tpu.memory_space<vmem>>) dst(%arg3 : memref<8x128xf32, #tpu.memory_space<hbm>>)
        tpu.yield
      }) : () -> ()
    } else {
    }
    return
  }
}

#map = affine_map<(d0, d1) -> (0, 0)>
module attributes {stable_mosaic.version = 14 : i64} {
  func.func @body(%arg0: i32, %arg1: i32, %arg2: memref<8x128xf32, #tpu.memory_space<hbm>>, %arg3: memref<8x128xf32, #tpu.memory_space<hbm>>, %arg4: memref<8x128xf32, #tpu.memory_space<vmem>>, %arg5: memref<!tpu.dma_semaphore, #tpu.memory_space<semaphore_mem>>) attributes {dimension_semantics = [#tpu.dimension_semantics<core_parallel>, #tpu.dimension_semantics<subcore_parallel>], iteration_bounds = array<i64: 2, 16>, scalar_prefetch = 0 : i64, scratch_operands = 2 : i64, tpu.core_type = #tpu.core_type<sc_vector_subcore>, window_params = [{transform_indices = #map}, {transform_indices = #map}]} {
    %eq3A = arith.constant 0 : i32
    %eq3A_0 = arith.cmpi eq, %arg1, %eq3A : i32
    %eq3A_1 = arith.constant 0 : i32
    %eq3A_2 = arith.cmpi eq, %arg0, %eq3A_1 : i32
    %and3A = arith.andi %eq3A_0, %eq3A_2 : i1
    %convert_element_type3A = arith.extui %and3A : i1 to i32
    %cond3A = arith.constant 0 : i32
    %cond3A_3 = arith.cmpi ne, %convert_element_type3A, %cond3A : i32
    scf.if %cond3A_3 {
      "tpu.region"() ({
        %run_scoped3A = tpu.sem_alloc : memref<!tpu.dma_semaphore, #tpu.memory_space<semaphore_mem>>
        tpu.enqueue_dma source(%arg2 : memref<8x128xf32, #tpu.memory_space<hbm>>) target(%arg4 : memref<8x128xf32, #tpu.memory_space<vmem>>) target_semaphore(%run_scoped3A : memref<!tpu.dma_semaphore, #tpu.memory_space<semaphore_mem>>)
        tpu.wait_dma2 semaphore(%run_scoped3A : memref<!tpu.dma_semaphore, #tpu.memory_space<semaphore_mem>>) src(%arg2 : memref<8x128xf32, #tpu.memory_space<hbm>>) dst(%arg4 : memref<8x128xf32, #tpu.memory_space<vmem>>)
        tpu.yield
      }) : () -> ()
      "tpu.region"() ({
        %run_scoped3A = tpu.sem_alloc : memref<!tpu.dma_semaphore, #tpu.memory_space<semaphore_mem>>
        tpu.enqueue_dma source(%arg4 : memref<8x128xf32, #tpu.memory_space<vmem>>) target(%arg3 : memref<8x128xf32, #tpu.memory_space<hbm>>) target_semaphore(%run_scoped3A : memref<!tpu.dma_semaphore, #tpu.memory_space<semaphore_mem>>)
        tpu.wait_dma2 semaphore(%run_scoped3A : memref<!tpu.dma_semaphore, #tpu.memory_space<semaphore_mem>>) src(%arg4 : memref<8x128xf32, #tpu.memory_space<vmem>>) dst(%arg3 : memref<8x128xf32, #tpu.memory_space<hbm>>)
        tpu.yield
      }) : () -> ()
    } else {
    }
    return
  }
}

#map = affine_map<(d0, d1) -> (0, 0)>
module attributes {stable_mosaic.version = 14 : i64} {
  func.func @body(%arg0: i32, %arg1: i32, %arg2: memref<8x128xf32, #tpu.memory_space<hbm>>, %arg3: memref<8x128xf32, #tpu.memory_space<hbm>>, %arg4: memref<8x128xf32, #tpu.memory_space<vmem>>, %arg5: memref<!tpu.dma_semaphore, #tpu.memory_space<semaphore_mem>>) attributes {dimension_semantics = [#tpu.dimension_semantics<core_parallel>, #tpu.dimension_semantics<subcore_parallel>], iteration_bounds = array<i64: 2, 16>, scalar_prefetch = 0 : i64, scratch_operands = 2 : i64, tpu.core_type = #tpu.core_type<sc_vector_subcore>, window_params = [{transform_indices = #map}, {transform_indices = #map}]} {
    %eq3A = arith.constant 0 : i32
    %eq3A_0 = arith.cmpi eq, %arg1, %eq3A : i32
    %eq3A_1 = arith.constant 0 : i32
    %eq3A_2 = arith.cmpi eq, %arg0, %eq3A_1 : i32
    %and3A = arith.andi %eq3A_0, %eq3A_2 : i1
    %convert_element_type3A = arith.extui %and3A : i1 to i32
    %cond3A = arith.constant 0 : i32
    %cond3A_3 = arith.cmpi ne, %convert_element_type3A, %cond3A : i32
    scf.if %cond3A_3 {
      "tpu.region"() ({
        %run_scoped3A = tpu.sem_alloc : memref<!tpu.dma_semaphore, #tpu.memory_space<semaphore_mem>>
        tpu.enqueue_dma source(%arg2 : memref<8x128xf32, #tpu.memory_space<hbm>>) target(%arg4 : memref<8x128xf32, #tpu.memory_space<vmem>>) target_semaphore(%run_scoped3A : memref<!tpu.dma_semaphore, #tpu.memory_space<semaphore_mem>>)
        tpu.wait_dma2 semaphore(%run_scoped3A : memref<!tpu.dma_semaphore, #tpu.memory_space<semaphore_mem>>) src(%arg2 : memref<8x128xf32, #tpu.memory_space<hbm>>) dst(%arg4 : memref<8x128xf32, #tpu.memory_space<vmem>>)
        tpu.yield
      }) : () -> ()
      "tpu.region"() ({
        %run_scoped3A = tpu.sem_alloc : memref<!tpu.dma_semaphore, #tpu.memory_space<semaphore_mem>>
        tpu.enqueue_dma source(%arg4 : memref<8x128xf32, #tpu.memory_space<vmem>>) target(%arg3 : memref<8x128xf32, #tpu.memory_space<hbm>>) target_semaphore(%run_scoped3A : memref<!tpu.dma_semaphore, #tpu.memory_space<semaphore_mem>>)
        tpu.wait_dma2 semaphore(%run_scoped3A : memref<!tpu.dma_semaphore, #tpu.memory_space<semaphore_mem>>) src(%arg4 : memref<8x128xf32, #tpu.memory_space<vmem>>) dst(%arg3 : memref<8x128xf32, #tpu.memory_space<hbm>>)
        tpu.yield
      }) : () -> ()
    } else {
    }
    return
  }
}

#map = affine_map<(d0, d1) -> (0, 0)>
module attributes {stable_mosaic.version = 14 : i64} {
  func.func @body(%arg0: i32, %arg1: i32, %arg2: memref<8x128xf32, #tpu.memory_space<hbm>>, %arg3: memref<8x128xf32, #tpu.memory_space<hbm>>, %arg4: memref<8x128xf32, #tpu.memory_space<vmem>>, %arg5: memref<!tpu.dma_semaphore, #tpu.memory_space<semaphore_mem>>) attributes {dimension_semantics = [#tpu.dimension_semantics<core_parallel>, #tpu.dimension_semantics<subcore_parallel>], iteration_bounds = array<i64: 2, 16>, scalar_prefetch = 0 : i64, scratch_operands = 2 : i64, tpu.core_type = #tpu.core_type<sc_vector_subcore>, window_params = [{transform_indices = #map}, {transform_indices = #map}]} {
    %eq3A = arith.constant 0 : i32
    %eq3A_0 = arith.cmpi eq, %arg1, %eq3A : i32
    %eq3A_1 = arith.constant 0 : i32
    %eq3A_2 = arith.cmpi eq, %arg0, %eq3A_1 : i32
    %and3A = arith.andi %eq3A_0, %eq3A_2 : i1
    %convert_element_type3A = arith.extui %and3A : i1 to i32
    %cond3A = arith.constant 0 : i32
    %cond3A_3 = arith.cmpi ne, %convert_element_type3A, %cond3A : i32
    scf.if %cond3A_3 {
      "tpu.region"() ({
        %run_scoped3A = tpu.sem_alloc : memref<!tpu.dma_semaphore, #tpu.memory_space<semaphore_mem>>
        tpu.enqueue_dma source(%arg2 : memref<8x128xf32, #tpu.memory_space<hbm>>) target(%arg4 : memref<8x128xf32, #tpu.memory_space<vmem>>) target_semaphore(%run_scoped3A : memref<!tpu.dma_semaphore, #tpu.memory_space<semaphore_mem>>)
        tpu.wait_dma2 semaphore(%run_scoped3A : memref<!tpu.dma_semaphore, #tpu.memory_space<semaphore_mem>>) src(%arg2 : memref<8x128xf32, #tpu.memory_space<hbm>>) dst(%arg4 : memref<8x128xf32, #tpu.memory_space<vmem>>)
        tpu.yield
      }) : () -> ()
      "tpu.region"() ({
        %run_scoped3A = tpu.sem_alloc : memref<!tpu.dma_semaphore, #tpu.memory_space<semaphore_mem>>
        tpu.enqueue_dma source(%arg4 : memref<8x128xf32, #tpu.memory_space<vmem>>) target(%arg3 : memref<8x128xf32, #tpu.memory_space<hbm>>) target_semaphore(%run_scoped3A : memref<!tpu.dma_semaphore, #tpu.memory_space<semaphore_mem>>)
        tpu.wait_dma2 semaphore(%run_scoped3A : memref<!tpu.dma_semaphore, #tpu.memory_space<semaphore_mem>>) src(%arg4 : memref<8x128xf32, #tpu.memory_space<vmem>>) dst(%arg3 : memref<8x128xf32, #tpu.memory_space<hbm>>)
        tpu.yield
      }) : () -> ()
    } else {
    }
    return
  }
}

</mosaic_0001>

<sc_bundles>
// kernel: _probe_kernel.12.cloned.1.call-start
scs
__scs_entry_jumppad:
0x0: {  	(pc) =	sbr.rel $0x88, $3  }
0x1: {  	(tag) =	ssettag $0x0;
	lr =	simm.s32 $0x1  }
0x2: {  	[smem:$0x3FA0] =	sst lr;
	_ =	strace $0xD0000000  }
0x3: {  	_ = 	snop  }
0x4: {  	_ = 	snop  }
0x5: {  	_ = 	snop  }
0x6: {  	_ = 	snop  }
0x7: {  	_ = 	snop  }
__scs_overlays_trampoline_lowered:
0x8: {  	[smem:$0x3FAF] =	sst s0  }
0x9: {  	[smem:$0x3FB0] =	sst s1  }
0xa: {  	[smem:$0x3FB1] =	sst s2  }
0xb: {  	[smem:$0x3FB2] =	sst s3  }
0xc: {  	[smem:$0x3FB3] =	sst s4  }
0xd: {  	[smem:$0x3FB4] =	sst s5  }
0xe: {  	[smem:$0x3FB5] =	sst s6  }
0xf: {  	[smem:$0x3FB6] =	sst s7  }
0x10: {  	[smem:$0x3FB7] =	sst s8  }
0x11: {  	[smem:$0x3FB8] =	sst s9;
	s0 =	simm.s32 @!p0 $0x0  }
0x12: {  	s1 =	sld [smem:$0x3F9E];
	s0 =	simm.s32 @p0 $0x1  }
0x13: {  	[smem:$0x3FB9] =	sst s0;
	s0 =	simm.s32 @!p1 $0x0  }
0x14: {  	s2 =	sld [smem:$0x3F9D];
	s0 =	simm.s32 @p1 $0x1  }
0x15: {  	[smem:$0x3FBA] =	sst s0;
	s0 =	simm.s32 @!p2 $0x0  }
0x16: {  	s3 =	sld [smem:$0x3FDB];
	s0 =	simm.s32 @p2 $0x1  }
0x17: {  	s4 =	simm.s32 $0x1BF5;
	[smem:$0x3FBC] =	sst s0  }
0x18: {  	s0 =	sld [smem:$0x3F9F];
	_ =	swait.ge [sflag:s4], $0x0  }
0x19: {  	s7 =	sld [smem:$0x3FA0]  }
0x1a: {  	s8 =	sadd.s32 $0xFFFFE003, lr  }
0x1b: {  	s9 =	sadd.s32 $0xFFFFFEF7, lr;
	s5 =	simm.s32 $0xFFFFFFFF;
	p2 =	slt.u32 s8, $0xFFFFF086  }
0x1c: {  	p1 =	slt.u32 s9, $0xF7A;
	s5 =	simm.s32 @!p2 $0x0  }
0x1d: {  	s5 =	simm.s32 @p1 $0x1;
	p0 =	seq.s32 s7, s2  }
0x1e: {  	s7 =	smul.u32 @!p0 $0xF7A, s2;
	p2 =	seq.s32 @!p0 s5, $0x0  }
0x1f: {  	s9 =	smul.u32 $0xF7A, s1;
	s8 =	simm.s32 @!p0 $0x1BF5;
	p2 =	por !p2, p0  }
0x20: {  	[sflag:s8] =	ssyncset.s32 @!p0 $0xFFFFF086;
	s6 =	sadd.s32 @!p0 s3, s7;
	s7 =	simm.s32 @!p0 $0x108  }
0x21: {  	s3 =	sadd.s32 s3, s9;
	s6 =	sadd.s32 @!p0 $0x88, s6;
	s7 =	simm.s32 @p2 $0x1082  }
0x22: {  	[simem:s7], [sflag:s8] =	dma.local @!p0 [hbm:s6], $0xF7A  }
0x23: {  	s9 =	sor.u32 $0xD0000000, s2;
	s6 =	simm.s32 $0x108;
	_ =	swait.ge @!p0 [sflag:s8], $0x0  }
0x24: {  	s3 =	sadd.s32 $0x88, s3;
	s6 =	simm.s32 @!p1 $0x1082;
	[sflag:s4] =	ssyncset.s32 $0xFFFFF086  }
0x25: {  	[simem:s6], [sflag:s4] =	dma.local [hbm:s3], $0xF7A  }
0x26: {  	[smem:$0x3FA0] =	sst s1;
	(tag) =	ssettag s2;
	_ =	strace s9  }
0x27: {  	s1 =	sld [smem:$0x3FB0]  }
0x28: {  	s2 =	sld [smem:$0x3FB1]  }
0x29: {  	s4 =	sld [smem:$0x3FB3]  }
0x2a: {  	p0 =	seq.s32 s5, $0x0;
	s5 =	sld [smem:$0x3FB4]  }
0x2b: {  	s6 =	sld [smem:$0x3FB5]  }
0x2c: {  	s7 =	sld [smem:$0x3FB6]  }
0x2d: {  	s3 =	simm.s32 $0x108;
	s8 =	sld [smem:$0x3FB7]  }
0x2e: {  	s3 =	simm.s32 @!p0 $0x1082;
	s9 =	sld [smem:$0x3FB8]  }
0x2f: {  	lr =	sadd.s32 s0, s3;
	s0 =	sld [smem:$0x3FAF]  }
0x30: {  	s3 =	sld [smem:$0x3FB2]  }
0x31: {  	[smem:$0x3FBB] =	sst s10  }
0x32: {  	s10 =	sld [smem:$0x3FB9];
	_ =	sdelay $0x3  }
0x33: {  	p0 =	seq.s32 s10, $0x1;
	s10 =	sld [smem:$0x3FBB];
	_ =	sdelay $0x3  }
0x34: {  	[smem:$0x3FBB] =	sst s10  }
0x35: {  	s10 =	sld [smem:$0x3FBA];
	_ =	sdelay $0x3  }
0x36: {  	p1 =	seq.s32 s10, $0x1;
	s10 =	sld [smem:$0x3FBB];
	_ =	sdelay $0x3  }
0x37: {  	[smem:$0x3FBB] =	sst s10  }
0x38: {  	s10 =	sld [smem:$0x3FBC]  }
0x39: {  	_ = 	snop;
	(pc) =	sbr.ind lr, $3  }
0x3a: {  	_ = 	snop  }
0x3b: {  	_ = 	snop  }
0x3c: {  	p2 =	seq.s32 s10, $0x1;
	s10 =	sld [smem:$0x3FBB]  }
0x3d: {  	_ =	shalt  }
0x3e: {  	_ =	shalt  }
0x3f: {  	_ =	shalt  }
0x40: {  	_ =	shalt  }
0x41: {  	_ =	shalt  }
0x42: {  	_ =	shalt  }
0x43: {  	_ =	shalt  }
0x44: {  	_ =	shalt  }
0x45: {  	_ =	shalt  }
0x46: {  	_ =	shalt  }
0x47: {  	_ =	shalt  }
0x48: {  	_ =	shalt  }
0x49: {  	_ =	shalt  }
0x4a: {  	_ =	shalt  }
0x4b: {  	_ =	shalt  }
0x4c: {  	_ =	shalt  }
0x4d: {  	_ =	shalt  }
0x4e: {  	_ =	shalt  }
0x4f: {  	_ =	shalt  }
0x50: {  	_ =	shalt  }
0x51: {  	_ =	shalt  }
0x52: {  	_ =	shalt  }
0x53: {  	_ =	shalt  }
0x54: {  	_ =	shalt  }
0x55: {  	_ =	shalt  }
0x56: {  	_ =	shalt  }
0x57: {  	_ =	shalt  }
0x58: {  	_ =	shalt  }
0x59: {  	_ =	shalt  }
0x5a: {  	_ =	shalt  }
0x5b: {  	_ =	shalt  }
0x5c: {  	_ =	shalt  }
0x5d: {  	_ =	shalt  }
0x5e: {  	_ =	shalt  }
0x5f: {  	_ =	shalt  }
0x60: {  	_ =	shalt  }
0x61: {  	_ =	shalt  }
0x62: {  	_ =	shalt  }
0x63: {  	_ =	shalt  }
0x64: {  	_ =	shalt  }
0x65: {  	_ =	shalt  }
0x66: {  	_ =	shalt  }
0x67: {  	_ =	shalt  }
0x68: {  	_ =	shalt  }
0x69: {  	_ =	shalt  }
0x6a: {  	_ =	shalt  }
0x6b: {  	_ =	shalt  }
0x6c: {  	_ =	shalt  }
0x6d: {  	_ =	shalt  }
0x6e: {  	_ =	shalt  }
0x6f: {  	_ =	shalt  }
0x70: {  	_ =	shalt  }
0x71: {  	_ =	shalt  }
0x72: {  	_ =	shalt  }
0x73: {  	_ =	shalt  }
0x74: {  	_ =	shalt  }
0x75: {  	_ =	shalt  }
0x76: {  	_ =	shalt  }
0x77: {  	_ =	shalt  }
0x78: {  	_ =	shalt  }
0x79: {  	_ =	shalt  }
0x7a: {  	_ =	shalt  }
0x7b: {  	_ =	shalt  }
0x7c: {  	_ =	shalt  }
0x7d: {  	_ =	shalt  }
0x7e: {  	_ =	shalt  }
0x7f: {  	_ =	shalt  }
0x80: {  	_ =	shalt  }
0x81: {  	_ =	shalt  }
0x82: {  	_ =	shalt  }
0x83: {  	_ =	shalt  }
0x84: {  	_ =	shalt  }
0x85: {  	_ =	shalt  }
0x86: {  	_ =	shalt  }
0x87: {  	_ =	shalt  }
.Lfunc_end0:
.L_simem_size_0:
called_computation.2_lowered:
.L_overlay_start_0:
0x88: {  	s2 =	sld [smem:$0x3FD9]  }
0x89: {  	s3 =	sld [smem:$0x3FFE];
	_ =	sdelay $0x1  }
0x8a: {  	s1 =	srdreg.scid  }
0x8b: {  	s0 =	sand.u32 $0x1, s1  }
0x8c: {  	s17 =	sshll.u32 s0, $0xA;
	s2 =	sadd.s32 s3, s2  }
0x8d: {  	s2 =	sadd.s32 s2, s17  }
0x8e: {  	[smem:$0x3FC7] =	sst s2  }
0x8f: {  	_ = 	snop  }
0x90: {  	s2 =	sld [smem:$0x3FD0];
	(tm) =	ssettm $0x1  }
0x91: {  	s18 =	sld [smem:$0x3FFB];
	_ =	sdelay $0x3  }
0x92: {  	_ =	strace s18  }
0x93: {  	s3 =	sld [smem:$0x3FFC];
	_ =	sdelay $0x3  }
0x94: {  	_ =	strace s3  }
0x95: {  	s3 =	sld [smem:$0x3FFD];
	_ =	sdelay $0x3  }
0x96: {  	_ =	strace s3  }
0x97: {  	_ =	strace $0x8FFFFFFF  }
0x98: {  	s19 =	sld [smem:$0x3FDB];
	_ =	sdelay $0x1  }
0x99: {  	s4 =	simm.s32 $_scs_section_size  }
0x9a: {  	s5 =	simm.s32 $_size__tile_overlayer_lowered;
	s6 =	simm.s32 $_tile_overlayer_lowered  }
0x9b: {  	s22 =	simm.s32 $0x1BFF;
	s21 =	sshll.u32 s6, $0x1;
	s3 =	sadd.s32 s4, s19  }
0x9c: {  	s7 =	simm.s32 $0x0;
	s20 =	sshll.u32 s5, $0x1;
	s5 =	sadd.s32 s21, s3  }
0x9d: {  	[timem:s7], [sflag:s22] =	dma.local [hbm:s5], s20  }
0x9e: {  	_ =	swait.ge [sflag:s22], s20  }
0x9f: {  	s4 =	ssub.s32 $0x0, s20;
	[sflag:s22] =	ssyncset.done $0x0  }
0xa0: {  	[sflag:s22] =	ssyncadd.s32 s4;
	_ =	sdelay $0x1  }
0xa1: {  	s23 =	simm.s32 $0x1B8B  }
0xa2: {  	_ =	swait.ge [sflag:s23], $0x1  }
0xa3: {  	[sflag:s23] =	ssyncset.done $0x0  }
0xa4: {  	s25 =	simm.s32 $0x1B8E;
	s24 =	sld [smem:$0x3FFE];
	[sflag:s23] =	ssyncadd.s32 $0xFFFFFFFF  }
0xa5: {  	s26 =	simm.s32 $execute0_lowered;
	[smem:$0x3FD2] =	sst s25  }
0xa6: {  	s5 =	sshll.u32 s26, $0x1;
	_ =	strace $0x8000004C;
	[dreg:$0x1] =	wrdreg $0xFFFFFFFF  }
0xa7: {  	s28 =	simm.s32 $_size_execute0_lowered;
	s3 =	sadd.s32 s3, s5;
	[dreg:$0x0] =	wrdreg $0x0  }
0xa8: {  	s5 =	sshll.u32 s28, $0x1;
	[dreg:$0x2] =	wrdreg s3  }
0xa9: {  	[dreg:$0x3] =	wrdreg s5  }
0xaa: {  	[dreg:$0x4] =	wrdreg $0xC0  }
0xab: {  	_ =	task [dreg:s7], $0x5FFFF  }
0xac: {  	[dreg:$0x1] =	wrdreg $0xFFFFFFFF  }
0xad: {  	[dreg:$0x0] =	wrdreg $0x60  }
0xae: {  	[dreg:$0x2] =	wrdreg s2  }
0xaf: {  	[dreg:$0x3] =	wrdreg s24  }
0xb0: {  	[dreg:$0x4] =	wrdreg $0x9  }
0xb1: {  	_ =	task.clear_ibuf [dreg:s7], $0x5FFFF;
	_ =	strace $0x9000004C  }
0xb2: {  	s29 =	simm.s32 $0x9;
	_ =	strace $0x8000004E  }
0xb3: {  	_ =	swait.ge [sflag:s29], $0x1  }
0xb4: {  	[sflag:s29] =	ssyncadd.s32 $0xFFFFFFFF  }
0xb5: {  	_ =	strace $0x9000004E  }
0xb6: {  	_ =	sfence  }
0xb7: {  	s30 =	sld [smem:$0x0];
	_ =	sdelay $0x2  }
0xb8: {  	s31 =	sshll.u32 s1, $0xD;
	s1 =	sshrl.u32 s1, $0x2  }
0xb9: {  	s3 =	sand.u32 $0x4000, s31;
	s1 =	sadd.s32 s1, s30  }
0xba: {  	s0 =	sor.u32 s3, s0;
	s1 =	sshll.u32 s1, $0x11  }
0xbb: {  	s0 =	sor.u32 s1, s0  }
0xbc: {  	s0 =	sadd.s32 $0x8F2B, s0  }
0xbd: {  	[sflag:s0] =	ssyncadd.remote.s32 $0x1  }
0xbe: {  	_ =	sfence.sel $0xFFFF  }
0xbf: {  	[dreg:$0x0] =	wrdreg $0xFFFFFFFF;
	(pc) =	sbr.abs _section_cstart, $3  }
0xc0: {  	[dreg:$0x1] =	wrdreg $0xFFFFFFFF  }
0xc1: {  	_ =	task.clear_ibuf [dreg:s7], $0x2FFFF;
	_ =	strace $0x9FFFFFFF  }
0xc2: {  	(tm) =	ssettm $0x7FFFFFFF  }
0xc3: {  	_ =	shalt  }
tec
execute0_lowered:
.L_overlay_start_1:
0x0: {  	(tag) =	ssettag $0x1  }
0x1: {  	s0 =	srdreg.scid  }
0x2: {  	s6 =	sand.u32 $0x1, s0;
	s0 =	stileid.u32  }
0x3: {  	s3 =	sor.u32 s6, s0  }
0x4: {  	p0 =	sne.s32 s3, $0x0  }
.Ltmp0:
0x5: {  	_ = 	snop;
	(pc) =	sbr.rel @p0 .LBB2_4-.Ltmp0, $4  }
0x6: {  	_ = 	snop  }
0x7: {  	s2 =	rddreg [dreg:$0x0]  }
0x8: {  	s5 =	rddreg [dreg:$0x1]  }
0x9: {  	s1 =	rddreg [dreg:$0x2];
	_ =	strace $0x8000004D  }
0xa: {  	s4 =	simm.s32 $0x0;
	s6 =	ssub.s32 $0x2, s6  }
0xb: {  	[tilespmem:s4], [sflag:$0x1] =	stream.linear.gather [hbm4b:s2+s4], $0x400, $0x38;
	[tilespmem:$0x400] =	vst v63  }
0xc: {  	s7 =	sshrl.u32 s6, $0x1  }
0xd: {  	s3 =	simm.s32 $0x1;
	s6 =	ssub.s32 s6, s7  }
0xe: {  	_ =	swait.ge [sflag:s3], $0x400;
	p0 =	sne.s32 s6, $0x1  }
.Ltmp1:
0xf: {  	[sflag:s3] =	ssyncset.done $0x0;
	(pc) =	sbr.rel @!p0 .LBB2_3-.Ltmp1, $4  }
0x10: {  	s5 =	sadd.s32 $0x1000, s5;
	[sflag:s3] =	ssyncadd.s32 $0xFFFFFC00  }
0x11: {  	[hbm4b:s5+s4] =	stream.linear.scatter [tilespmem:s4], [sflag:$0x1], $0x400, $0x38;
	[tilespmem:$0x400] =	vst v63  }
0x12: {  	_ =	swait.ge [sflag:s3], $0x400  }
0x13: {  	s6 =	sadd.s32 $0xFFFFFFFF, s6;
	[sflag:s3] =	ssyncset.done $0x0  }
.LBB2_2:
0x14: {  	p0 =	sne.s32 s6, $0x1;
	s6 =	sadd.s32 $0xFFFFFFFF, s6;
	[sflag:s3] =	ssyncadd.s32 $0xFFFFFC00  }
0x15: {  	[tilespmem:s4], [sflag:$0x1] =	stream.linear.gather [hbm4b:s2+s4], $0x400, $0x38;
	[tilespmem:$0x400] =	vst v63  }
0x16: {  	_ =	swait.ge [sflag:s3], $0x400  }
.Ltmp2:
0x17: {  	[sflag:s3] =	ssyncset.done $0x0;
	(pc) =	sbr.rel @p0 .LBB2_2-.Ltmp2, $4  }
0x18: {  	[sflag:s3] =	ssyncadd.s32 $0xFFFFFC00  }
0x19: {  	[hbm4b:s5+s4] =	stream.linear.scatter [tilespmem:s4], [sflag:$0x1], $0x400, $0x38;
	[tilespmem:$0x400] =	vst v63  }
0x1a: {  	_ =	swait.ge [sflag:s3], $0x400  }
0x1b: {  	[sflag:s3] =	ssyncset.done $0x0  }
.LBB2_3:
0x1c: {  	[sflag:s3] =	ssyncadd.s32 $0xFFFFFC00  }
.LBB2_4:
0x1d: {  	_ =	sfence.sel $0x180000  }
0x1e: {  	[bflag:$0x0] =	sbarrier.arrive $0xFFFF  }
0x1f: {  	p0 =	sne.s32 s0, $0x0;
	_ =	strace $0x9000004D  }
0x20: {  	s0 =	sadd.s32 @!p0 $0x100000, s1;
	[bflag:$0x2] =	sbarrier.arrive $0xFFFF  }
0x21: {  	[sflag:s0] =	ssyncadd.tile.s32 @!p0 $0x1;
	_ =	shalt  }
.Lfunc_end2:
_tile_overlayer_lowered:
.L_overlay_start_2:
0x22: {  	(tag) =	ssettag $0x2  }
0x23: {  	s0 =	rddreg [dreg:$0x0];
	s2 =	stileid.u32  }
0x24: {  	s1 =	rddreg [dreg:$0x1];
	p0 =	sne.s32 s2, $0x0  }
0x25: {  	s3 =	rddreg [dreg:$0x2];
	[bflag:$0x3] =	sbarrier.arrive $0xFFFF;
	s2 =	simm.s32 @!p0 $0x1C01  }
0x26: {  	[timem:s3], [sflag:s2] =	dma.local @!p0 [hbm:s0], s1  }
0x27: {  	s0 =	simm.s32 @!p0 $0x1  }
0x28: {  	_ =	swait.ge @!p0 [sflag:s0], s1  }
0x29: {  	s1 =	ssub.s32 @!p0 $0x0, s1;
	[sflag:s0] =	ssyncset.done @!p0 $0x0  }
0x2a: {  	[sflag:s0] =	ssyncadd.s32 @!p0 s1  }
0x2b: {  	[bflag:$0x3] =	sbarrier.arrive $0xFFFF  }
0x2c: {  	_ =	shalt  }

// kernel: _probe_kernel.15.cloned.1.call-start
scs
__scs_entry_jumppad:
0x0: {  	(pc) =	sbr.rel $0x88, $3  }
0x1: {  	(tag) =	ssettag $0x0;
	lr =	simm.s32 $0x1  }
0x2: {  	[smem:$0x3FA0] =	sst lr;
	_ =	strace $0xD0000000  }
0x3: {  	_ = 	snop  }
0x4: {  	_ = 	snop  }
0x5: {  	_ = 	snop  }
0x6: {  	_ = 	snop  }
0x7: {  	_ = 	snop  }
__scs_overlays_trampoline_lowered:
0x8: {  	[smem:$0x3FAF] =	sst s0  }
0x9: {  	[smem:$0x3FB0] =	sst s1  }
0xa: {  	[smem:$0x3FB1] =	sst s2  }
0xb: {  	[smem:$0x3FB2] =	sst s3  }
0xc: {  	[smem:$0x3FB3] =	sst s4  }
0xd: {  	[smem:$0x3FB4] =	sst s5  }
0xe: {  	[smem:$0x3FB5] =	sst s6  }
0xf: {  	[smem:$0x3FB6] =	sst s7  }
0x10: {  	[smem:$0x3FB7] =	sst s8  }
0x11: {  	[smem:$0x3FB8] =	sst s9;
	s0 =	simm.s32 @!p0 $0x0  }
0x12: {  	s1 =	sld [smem:$0x3F9E];
	s0 =	simm.s32 @p0 $0x1  }
0x13: {  	[smem:$0x3FB9] =	sst s0;
	s0 =	simm.s32 @!p1 $0x0  }
0x14: {  	s2 =	sld [smem:$0x3F9D];
	s0 =	simm.s32 @p1 $0x1  }
0x15: {  	[smem:$0x3FBA] =	sst s0;
	s0 =	simm.s32 @!p2 $0x0  }
0x16: {  	s3 =	sld [smem:$0x3FDB];
	s0 =	simm.s32 @p2 $0x1  }
0x17: {  	s4 =	simm.s32 $0x1BF5;
	[smem:$0x3FBC] =	sst s0  }
0x18: {  	s0 =	sld [smem:$0x3F9F];
	_ =	swait.ge [sflag:s4], $0x0  }
0x19: {  	s7 =	sld [smem:$0x3FA0]  }
0x1a: {  	s8 =	sadd.s32 $0xFFFFE003, lr  }
0x1b: {  	s9 =	sadd.s32 $0xFFFFFEF7, lr;
	s5 =	simm.s32 $0xFFFFFFFF;
	p2 =	slt.u32 s8, $0xFFFFF086  }
0x1c: {  	p1 =	slt.u32 s9, $0xF7A;
	s5 =	simm.s32 @!p2 $0x0  }
0x1d: {  	s5 =	simm.s32 @p1 $0x1;
	p0 =	seq.s32 s7, s2  }
0x1e: {  	s7 =	smul.u32 @!p0 $0xF7A, s2;
	p2 =	seq.s32 @!p0 s5, $0x0  }
0x1f: {  	s9 =	smul.u32 $0xF7A, s1;
	s8 =	simm.s32 @!p0 $0x1BF5;
	p2 =	por !p2, p0  }
0x20: {  	[sflag:s8] =	ssyncset.s32 @!p0 $0xFFFFF086;
	s6 =	sadd.s32 @!p0 s3, s7;
	s7 =	simm.s32 @!p0 $0x108  }
0x21: {  	s3 =	sadd.s32 s3, s9;
	s6 =	sadd.s32 @!p0 $0x88, s6;
	s7 =	simm.s32 @p2 $0x1082  }
0x22: {  	[simem:s7], [sflag:s8] =	dma.local @!p0 [hbm:s6], $0xF7A  }
0x23: {  	s9 =	sor.u32 $0xD0000000, s2;
	s6 =	simm.s32 $0x108;
	_ =	swait.ge @!p0 [sflag:s8], $0x0  }
0x24: {  	s3 =	sadd.s32 $0x88, s3;
	s6 =	simm.s32 @!p1 $0x1082;
	[sflag:s4] =	ssyncset.s32 $0xFFFFF086  }
0x25: {  	[simem:s6], [sflag:s4] =	dma.local [hbm:s3], $0xF7A  }
0x26: {  	[smem:$0x3FA0] =	sst s1;
	(tag) =	ssettag s2;
	_ =	strace s9  }
0x27: {  	s1 =	sld [smem:$0x3FB0]  }
0x28: {  	s2 =	sld [smem:$0x3FB1]  }
0x29: {  	s4 =	sld [smem:$0x3FB3]  }
0x2a: {  	p0 =	seq.s32 s5, $0x0;
	s5 =	sld [smem:$0x3FB4]  }
0x2b: {  	s6 =	sld [smem:$0x3FB5]  }
0x2c: {  	s7 =	sld [smem:$0x3FB6]  }
0x2d: {  	s3 =	simm.s32 $0x108;
	s8 =	sld [smem:$0x3FB7]  }
0x2e: {  	s3 =	simm.s32 @!p0 $0x1082;
	s9 =	sld [smem:$0x3FB8]  }
0x2f: {  	lr =	sadd.s32 s0, s3;
	s0 =	sld [smem:$0x3FAF]  }
0x30: {  	s3 =	sld [smem:$0x3FB2]  }
0x31: {  	[smem:$0x3FBB] =	sst s10  }
0x32: {  	s10 =	sld [smem:$0x3FB9];
	_ =	sdelay $0x3  }
0x33: {  	p0 =	seq.s32 s10, $0x1;
	s10 =	sld [smem:$0x3FBB];
	_ =	sdelay $0x3  }
0x34: {  	[smem:$0x3FBB] =	sst s10  }
0x35: {  	s10 =	sld [smem:$0x3FBA];
	_ =	sdelay $0x3  }
0x36: {  	p1 =	seq.s32 s10, $0x1;
	s10 =	sld [smem:$0x3FBB];
	_ =	sdelay $0x3  }
0x37: {  	[smem:$0x3FBB] =	sst s10  }
0x38: {  	s10 =	sld [smem:$0x3FBC]  }
0x39: {  	_ = 	snop;
	(pc) =	sbr.ind lr, $3  }
0x3a: {  	_ = 	snop  }
0x3b: {  	_ = 	snop  }
0x3c: {  	p2 =	seq.s32 s10, $0x1;
	s10 =	sld [smem:$0x3FBB]  }
0x3d: {  	_ =	shalt  }
0x3e: {  	_ =	shalt  }
0x3f: {  	_ =	shalt  }
0x40: {  	_ =	shalt  }
0x41: {  	_ =	shalt  }
0x42: {  	_ =	shalt  }
0x43: {  	_ =	shalt  }
0x44: {  	_ =	shalt  }
0x45: {  	_ =	shalt  }
0x46: {  	_ =	shalt  }
0x47: {  	_ =	shalt  }
0x48: {  	_ =	shalt  }
0x49: {  	_ =	shalt  }
0x4a: {  	_ =	shalt  }
0x4b: {  	_ =	shalt  }
0x4c: {  	_ =	shalt  }
0x4d: {  	_ =	shalt  }
0x4e: {  	_ =	shalt  }
0x4f: {  	_ =	shalt  }
0x50: {  	_ =	shalt  }
0x51: {  	_ =	shalt  }
0x52: {  	_ =	shalt  }
0x53: {  	_ =	shalt  }
0x54: {  	_ =	shalt  }
0x55: {  	_ =	shalt  }
0x56: {  	_ =	shalt  }
0x57: {  	_ =	shalt  }
0x58: {  	_ =	shalt  }
0x59: {  	_ =	shalt  }
0x5a: {  	_ =	shalt  }
0x5b: {  	_ =	shalt  }
0x5c: {  	_ =	shalt  }
0x5d: {  	_ =	shalt  }
0x5e: {  	_ =	shalt  }
0x5f: {  	_ =	shalt  }
0x60: {  	_ =	shalt  }
0x61: {  	_ =	shalt  }
0x62: {  	_ =	shalt  }
0x63: {  	_ =	shalt  }
0x64: {  	_ =	shalt  }
0x65: {  	_ =	shalt  }
0x66: {  	_ =	shalt  }
0x67: {  	_ =	shalt  }
0x68: {  	_ =	shalt  }
0x69: {  	_ =	shalt  }
0x6a: {  	_ =	shalt  }
0x6b: {  	_ =	shalt  }
0x6c: {  	_ =	shalt  }
0x6d: {  	_ =	shalt  }
0x6e: {  	_ =	shalt  }
0x6f: {  	_ =	shalt  }
0x70: {  	_ =	shalt  }
0x71: {  	_ =	shalt  }
0x72: {  	_ =	shalt  }
0x73: {  	_ =	shalt  }
0x74: {  	_ =	shalt  }
0x75: {  	_ =	shalt  }
0x76: {  	_ =	shalt  }
0x77: {  	_ =	shalt  }
0x78: {  	_ =	shalt  }
0x79: {  	_ =	shalt  }
0x7a: {  	_ =	shalt  }
0x7b: {  	_ =	shalt  }
0x7c: {  	_ =	shalt  }
0x7d: {  	_ =	shalt  }
0x7e: {  	_ =	shalt  }
0x7f: {  	_ =	shalt  }
0x80: {  	_ =	shalt  }
0x81: {  	_ =	shalt  }
0x82: {  	_ =	shalt  }
0x83: {  	_ =	shalt  }
0x84: {  	_ =	shalt  }
0x85: {  	_ =	shalt  }
0x86: {  	_ =	shalt  }
0x87: {  	_ =	shalt  }
.Lfunc_end0:
.L_simem_size_0:
called_computation.3_lowered:
.L_overlay_start_0:
0x88: {  	s2 =	sld [smem:$0x3FD9]  }
0x89: {  	s3 =	sld [smem:$0x3FFE];
	_ =	sdelay $0x1  }
0x8a: {  	s1 =	srdreg.scid  }
0x8b: {  	s0 =	sand.u32 $0x1, s1  }
0x8c: {  	s17 =	sshll.u32 s0, $0xA;
	s2 =	sadd.s32 s3, s2  }
0x8d: {  	s2 =	sadd.s32 s2, s17  }
0x8e: {  	[smem:$0x3FC7] =	sst s2  }
0x8f: {  	_ = 	snop  }
0x90: {  	s2 =	sld [smem:$0x3FD0];
	(tm) =	ssettm $0x1  }
0x91: {  	s18 =	sld [smem:$0x3FFB];
	_ =	sdelay $0x3  }
0x92: {  	_ =	strace s18  }
0x93: {  	s3 =	sld [smem:$0x3FFC];
	_ =	sdelay $0x3  }
0x94: {  	_ =	strace s3  }
0x95: {  	s3 =	sld [smem:$0x3FFD];
	_ =	sdelay $0x3  }
0x96: {  	_ =	strace s3  }
0x97: {  	_ =	strace $0x8FFFFFFF  }
0x98: {  	s19 =	sld [smem:$0x3FDB];
	_ =	sdelay $0x1  }
0x99: {  	s4 =	simm.s32 $_scs_section_size  }
0x9a: {  	s5 =	simm.s32 $_size__tile_overlayer_lowered;
	s6 =	simm.s32 $_tile_overlayer_lowered  }
0x9b: {  	s22 =	simm.s32 $0x1BFF;
	s21 =	sshll.u32 s6, $0x1;
	s3 =	sadd.s32 s4, s19  }
0x9c: {  	s7 =	simm.s32 $0x0;
	s20 =	sshll.u32 s5, $0x1;
	s5 =	sadd.s32 s21, s3  }
0x9d: {  	[timem:s7], [sflag:s22] =	dma.local [hbm:s5], s20  }
0x9e: {  	_ =	swait.ge [sflag:s22], s20  }
0x9f: {  	s4 =	ssub.s32 $0x0, s20;
	[sflag:s22] =	ssyncset.done $0x0  }
0xa0: {  	[sflag:s22] =	ssyncadd.s32 s4;
	_ =	sdelay $0x1  }
0xa1: {  	s23 =	simm.s32 $0x1B8B  }
0xa2: {  	_ =	swait.ge [sflag:s23], $0x1  }
0xa3: {  	[sflag:s23] =	ssyncset.done $0x0  }
0xa4: {  	s25 =	simm.s32 $0x1B8E;
	s24 =	sld [smem:$0x3FFE];
	[sflag:s23] =	ssyncadd.s32 $0xFFFFFFFF  }
0xa5: {  	s26 =	simm.s32 $execute0_lowered;
	[smem:$0x3FD2] =	sst s25  }
0xa6: {  	s5 =	sshll.u32 s26, $0x1;
	_ =	strace $0x8000004F;
	[dreg:$0x1] =	wrdreg $0xFFFFFFFF  }
0xa7: {  	s28 =	simm.s32 $_size_execute0_lowered;
	s3 =	sadd.s32 s3, s5;
	[dreg:$0x0] =	wrdreg $0x0  }
0xa8: {  	s5 =	sshll.u32 s28, $0x1;
	[dreg:$0x2] =	wrdreg s3  }
0xa9: {  	[dreg:$0x3] =	wrdreg s5  }
0xaa: {  	[dreg:$0x4] =	wrdreg $0xC0  }
0xab: {  	_ =	task [dreg:s7], $0x5FFFF  }
0xac: {  	[dreg:$0x1] =	wrdreg $0xFFFFFFFF  }
0xad: {  	[dreg:$0x0] =	wrdreg $0x60  }
0xae: {  	[dreg:$0x2] =	wrdreg s24  }
0xaf: {  	[dreg:$0x3] =	wrdreg s2  }
0xb0: {  	[dreg:$0x4] =	wrdreg $0x9  }
0xb1: {  	_ =	task.clear_ibuf [dreg:s7], $0x5FFFF;
	_ =	strace $0x9000004F  }
0xb2: {  	s29 =	simm.s32 $0x9;
	_ =	strace $0x80000051  }
0xb3: {  	_ =	swait.ge [sflag:s29], $0x1  }
0xb4: {  	[sflag:s29] =	ssyncadd.s32 $0xFFFFFFFF  }
0xb5: {  	_ =	strace $0x90000051  }
0xb6: {  	_ =	sfence  }
0xb7: {  	s30 =	sld [smem:$0x0];
	_ =	sdelay $0x2  }
0xb8: {  	s31 =	sshll.u32 s1, $0xD;
	s1 =	sshrl.u32 s1, $0x2  }
0xb9: {  	s3 =	sand.u32 $0x4000, s31;
	s1 =	sadd.s32 s1, s30  }
0xba: {  	s0 =	sor.u32 s3, s0;
	s1 =	sshll.u32 s1, $0x11  }
0xbb: {  	s0 =	sor.u32 s1, s0  }
0xbc: {  	s0 =	sadd.s32 $0x8F2B, s0  }
0xbd: {  	[sflag:s0] =	ssyncadd.remote.s32 $0x1  }
0xbe: {  	_ =	sfence.sel $0xFFFF  }
0xbf: {  	[dreg:$0x0] =	wrdreg $0xFFFFFFFF;
	(pc) =	sbr.abs _section_cstart, $3  }
0xc0: {  	[dreg:$0x1] =	wrdreg $0xFFFFFFFF  }
0xc1: {  	_ =	task.clear_ibuf [dreg:s7], $0x2FFFF;
	_ =	strace $0x9FFFFFFF  }
0xc2: {  	(tm) =	ssettm $0x7FFFFFFF  }
0xc3: {  	_ =	shalt  }
tec
execute0_lowered:
.L_overlay_start_1:
0x0: {  	(tag) =	ssettag $0x1  }
0x1: {  	s0 =	srdreg.scid  }
0x2: {  	s6 =	sand.u32 $0x1, s0;
	s0 =	stileid.u32  }
0x3: {  	s4 =	sor.u32 s6, s0  }
0x4: {  	p0 =	sne.s32 s4, $0x0  }
.Ltmp0:
0x5: {  	_ = 	snop;
	(pc) =	sbr.rel @p0 .LBB2_4-.Ltmp0, $4  }
0x6: {  	_ = 	snop  }
0x7: {  	s3 =	rddreg [dreg:$0x0]  }
0x8: {  	s2 =	rddreg [dreg:$0x1]  }
0x9: {  	s1 =	rddreg [dreg:$0x2];
	_ =	strace $0x80000050  }
0xa: {  	s3 =	sadd.s32 $0x1000, s3;
	s5 =	simm.s32 $0x0;
	s6 =	ssub.s32 $0x2, s6  }
0xb: {  	[tilespmem:s5], [sflag:$0x1] =	stream.linear.gather [hbm4b:s3+s5], $0x400, $0x38;
	[tilespmem:$0x400] =	vst v63  }
0xc: {  	s7 =	sshrl.u32 s6, $0x1  }
0xd: {  	s4 =	simm.s32 $0x1;
	s6 =	ssub.s32 s6, s7  }
0xe: {  	_ =	swait.ge [sflag:s4], $0x400;
	p0 =	sne.s32 s6, $0x1  }
.Ltmp1:
0xf: {  	[sflag:s4] =	ssyncset.done $0x0;
	(pc) =	sbr.rel @!p0 .LBB2_3-.Ltmp1, $4  }
0x10: {  	[sflag:s4] =	ssyncadd.s32 $0xFFFFFC00  }
0x11: {  	[hbm4b:s2+s5] =	stream.linear.scatter [tilespmem:s5], [sflag:$0x1], $0x400, $0x38;
	[tilespmem:$0x400] =	vst v63  }
0x12: {  	_ =	swait.ge [sflag:s4], $0x400  }
0x13: {  	s6 =	sadd.s32 $0xFFFFFFFF, s6;
	[sflag:s4] =	ssyncset.done $0x0  }
.LBB2_2:
0x14: {  	p0 =	sne.s32 s6, $0x1;
	s6 =	sadd.s32 $0xFFFFFFFF, s6;
	[sflag:s4] =	ssyncadd.s32 $0xFFFFFC00  }
0x15: {  	[tilespmem:s5], [sflag:$0x1] =	stream.linear.gather [hbm4b:s3+s5], $0x400, $0x38;
	[tilespmem:$0x400] =	vst v63  }
0x16: {  	_ =	swait.ge [sflag:s4], $0x400  }
.Ltmp2:
0x17: {  	[sflag:s4] =	ssyncset.done $0x0;
	(pc) =	sbr.rel @p0 .LBB2_2-.Ltmp2, $4  }
0x18: {  	[sflag:s4] =	ssyncadd.s32 $0xFFFFFC00  }
0x19: {  	[hbm4b:s2+s5] =	stream.linear.scatter [tilespmem:s5], [sflag:$0x1], $0x400, $0x38;
	[tilespmem:$0x400] =	vst v63  }
0x1a: {  	_ =	swait.ge [sflag:s4], $0x400  }
0x1b: {  	[sflag:s4] =	ssyncset.done $0x0  }
.LBB2_3:
0x1c: {  	[sflag:s4] =	ssyncadd.s32 $0xFFFFFC00  }
.LBB2_4:
0x1d: {  	_ =	sfence.sel $0x180000  }
0x1e: {  	[bflag:$0x0] =	sbarrier.arrive $0xFFFF  }
0x1f: {  	p0 =	sne.s32 s0, $0x0;
	_ =	strace $0x90000050  }
0x20: {  	s0 =	sadd.s32 @!p0 $0x100000, s1;
	[bflag:$0x2] =	sbarrier.arrive $0xFFFF  }
0x21: {  	[sflag:s0] =	ssyncadd.tile.s32 @!p0 $0x1;
	_ =	shalt  }
.Lfunc_end2:
_tile_overlayer_lowered:
.L_overlay_start_2:
0x22: {  	(tag) =	ssettag $0x2  }
0x23: {  	s0 =	rddreg [dreg:$0x0];
	s2 =	stileid.u32  }
0x24: {  	s1 =	rddreg [dreg:$0x1];
	p0 =	sne.s32 s2, $0x0  }
0x25: {  	s3 =	rddreg [dreg:$0x2];
	[bflag:$0x3] =	sbarrier.arrive $0xFFFF;
	s2 =	simm.s32 @!p0 $0x1C01  }
0x26: {  	[timem:s3], [sflag:s2] =	dma.local @!p0 [hbm:s0], s1  }
0x27: {  	s0 =	simm.s32 @!p0 $0x1  }
0x28: {  	_ =	swait.ge @!p0 [sflag:s0], s1  }
0x29: {  	s1 =	ssub.s32 @!p0 $0x0, s1;
	[sflag:s0] =	ssyncset.done @!p0 $0x0  }
0x2a: {  	[sflag:s0] =	ssyncadd.s32 @!p0 s1  }
0x2b: {  	[bflag:$0x3] =	sbarrier.arrive $0xFFFF  }
0x2c: {  	_ =	shalt  }

// kernel: _probe_kernel.6.cloned.1.call-start
scs
__scs_entry_jumppad:
0x0: {  	(pc) =	sbr.rel $0x88, $3  }
0x1: {  	(tag) =	ssettag $0x0;
	lr =	simm.s32 $0x1  }
0x2: {  	[smem:$0x3FA0] =	sst lr;
	_ =	strace $0xD0000000  }
0x3: {  	_ = 	snop  }
0x4: {  	_ = 	snop  }
0x5: {  	_ = 	snop  }
0x6: {  	_ = 	snop  }
0x7: {  	_ = 	snop  }
__scs_overlays_trampoline_lowered:
0x8: {  	[smem:$0x3FAF] =	sst s0  }
0x9: {  	[smem:$0x3FB0] =	sst s1  }
0xa: {  	[smem:$0x3FB1] =	sst s2  }
0xb: {  	[smem:$0x3FB2] =	sst s3  }
0xc: {  	[smem:$0x3FB3] =	sst s4  }
0xd: {  	[smem:$0x3FB4] =	sst s5  }
0xe: {  	[smem:$0x3FB5] =	sst s6  }
0xf: {  	[smem:$0x3FB6] =	sst s7  }
0x10: {  	[smem:$0x3FB7] =	sst s8  }
0x11: {  	[smem:$0x3FB8] =	sst s9;
	s0 =	simm.s32 @!p0 $0x0  }
0x12: {  	s1 =	sld [smem:$0x3F9E];
	s0 =	simm.s32 @p0 $0x1  }
0x13: {  	[smem:$0x3FB9] =	sst s0;
	s0 =	simm.s32 @!p1 $0x0  }
0x14: {  	s2 =	sld [smem:$0x3F9D];
	s0 =	simm.s32 @p1 $0x1  }
0x15: {  	[smem:$0x3FBA] =	sst s0;
	s0 =	simm.s32 @!p2 $0x0  }
0x16: {  	s3 =	sld [smem:$0x3FDB];
	s0 =	simm.s32 @p2 $0x1  }
0x17: {  	s4 =	simm.s32 $0x1BF5;
	[smem:$0x3FBC] =	sst s0  }
0x18: {  	s0 =	sld [smem:$0x3F9F];
	_ =	swait.ge [sflag:s4], $0x0  }
0x19: {  	s7 =	sld [smem:$0x3FA0]  }
0x1a: {  	s8 =	sadd.s32 $0xFFFFE003, lr  }
0x1b: {  	s9 =	sadd.s32 $0xFFFFFEF7, lr;
	s5 =	simm.s32 $0xFFFFFFFF;
	p2 =	slt.u32 s8, $0xFFFFF086  }
0x1c: {  	p1 =	slt.u32 s9, $0xF7A;
	s5 =	simm.s32 @!p2 $0x0  }
0x1d: {  	s5 =	simm.s32 @p1 $0x1;
	p0 =	seq.s32 s7, s2  }
0x1e: {  	s7 =	smul.u32 @!p0 $0xF7A, s2;
	p2 =	seq.s32 @!p0 s5, $0x0  }
0x1f: {  	s9 =	smul.u32 $0xF7A, s1;
	s8 =	simm.s32 @!p0 $0x1BF5;
	p2 =	por !p2, p0  }
0x20: {  	[sflag:s8] =	ssyncset.s32 @!p0 $0xFFFFF086;
	s6 =	sadd.s32 @!p0 s3, s7;
	s7 =	simm.s32 @!p0 $0x108  }
0x21: {  	s3 =	sadd.s32 s3, s9;
	s6 =	sadd.s32 @!p0 $0x88, s6;
	s7 =	simm.s32 @p2 $0x1082  }
0x22: {  	[simem:s7], [sflag:s8] =	dma.local @!p0 [hbm:s6], $0xF7A  }
0x23: {  	s9 =	sor.u32 $0xD0000000, s2;
	s6 =	simm.s32 $0x108;
	_ =	swait.ge @!p0 [sflag:s8], $0x0  }
0x24: {  	s3 =	sadd.s32 $0x88, s3;
	s6 =	simm.s32 @!p1 $0x1082;
	[sflag:s4] =	ssyncset.s32 $0xFFFFF086  }
0x25: {  	[simem:s6], [sflag:s4] =	dma.local [hbm:s3], $0xF7A  }
0x26: {  	[smem:$0x3FA0] =	sst s1;
	(tag) =	ssettag s2;
	_ =	strace s9  }
0x27: {  	s1 =	sld [smem:$0x3FB0]  }
0x28: {  	s2 =	sld [smem:$0x3FB1]  }
0x29: {  	s4 =	sld [smem:$0x3FB3]  }
0x2a: {  	p0 =	seq.s32 s5, $0x0;
	s5 =	sld [smem:$0x3FB4]  }
0x2b: {  	s6 =	sld [smem:$0x3FB5]  }
0x2c: {  	s7 =	sld [smem:$0x3FB6]  }
0x2d: {  	s3 =	simm.s32 $0x108;
	s8 =	sld [smem:$0x3FB7]  }
0x2e: {  	s3 =	simm.s32 @!p0 $0x1082;
	s9 =	sld [smem:$0x3FB8]  }
0x2f: {  	lr =	sadd.s32 s0, s3;
	s0 =	sld [smem:$0x3FAF]  }
0x30: {  	s3 =	sld [smem:$0x3FB2]  }
0x31: {  	[smem:$0x3FBB] =	sst s10  }
0x32: {  	s10 =	sld [smem:$0x3FB9];
	_ =	sdelay $0x3  }
0x33: {  	p0 =	seq.s32 s10, $0x1;
	s10 =	sld [smem:$0x3FBB];
	_ =	sdelay $0x3  }
0x34: {  	[smem:$0x3FBB] =	sst s10  }
0x35: {  	s10 =	sld [smem:$0x3FBA];
	_ =	sdelay $0x3  }
0x36: {  	p1 =	seq.s32 s10, $0x1;
	s10 =	sld [smem:$0x3FBB];
	_ =	sdelay $0x3  }
0x37: {  	[smem:$0x3FBB] =	sst s10  }
0x38: {  	s10 =	sld [smem:$0x3FBC]  }
0x39: {  	_ = 	snop;
	(pc) =	sbr.ind lr, $3  }
0x3a: {  	_ = 	snop  }
0x3b: {  	_ = 	snop  }
0x3c: {  	p2 =	seq.s32 s10, $0x1;
	s10 =	sld [smem:$0x3FBB]  }
0x3d: {  	_ =	shalt  }
0x3e: {  	_ =	shalt  }
0x3f: {  	_ =	shalt  }
0x40: {  	_ =	shalt  }
0x41: {  	_ =	shalt  }
0x42: {  	_ =	shalt  }
0x43: {  	_ =	shalt  }
0x44: {  	_ =	shalt  }
0x45: {  	_ =	shalt  }
0x46: {  	_ =	shalt  }
0x47: {  	_ =	shalt  }
0x48: {  	_ =	shalt  }
0x49: {  	_ =	shalt  }
0x4a: {  	_ =	shalt  }
0x4b: {  	_ =	shalt  }
0x4c: {  	_ =	shalt  }
0x4d: {  	_ =	shalt  }
0x4e: {  	_ =	shalt  }
0x4f: {  	_ =	shalt  }
0x50: {  	_ =	shalt  }
0x51: {  	_ =	shalt  }
0x52: {  	_ =	shalt  }
0x53: {  	_ =	shalt  }
0x54: {  	_ =	shalt  }
0x55: {  	_ =	shalt  }
0x56: {  	_ =	shalt  }
0x57: {  	_ =	shalt  }
0x58: {  	_ =	shalt  }
0x59: {  	_ =	shalt  }
0x5a: {  	_ =	shalt  }
0x5b: {  	_ =	shalt  }
0x5c: {  	_ =	shalt  }
0x5d: {  	_ =	shalt  }
0x5e: {  	_ =	shalt  }
0x5f: {  	_ =	shalt  }
0x60: {  	_ =	shalt  }
0x61: {  	_ =	shalt  }
0x62: {  	_ =	shalt  }
0x63: {  	_ =	shalt  }
0x64: {  	_ =	shalt  }
0x65: {  	_ =	shalt  }
0x66: {  	_ =	shalt  }
0x67: {  	_ =	shalt  }
0x68: {  	_ =	shalt  }
0x69: {  	_ =	shalt  }
0x6a: {  	_ =	shalt  }
0x6b: {  	_ =	shalt  }
0x6c: {  	_ =	shalt  }
0x6d: {  	_ =	shalt  }
0x6e: {  	_ =	shalt  }
0x6f: {  	_ =	shalt  }
0x70: {  	_ =	shalt  }
0x71: {  	_ =	shalt  }
0x72: {  	_ =	shalt  }
0x73: {  	_ =	shalt  }
0x74: {  	_ =	shalt  }
0x75: {  	_ =	shalt  }
0x76: {  	_ =	shalt  }
0x77: {  	_ =	shalt  }
0x78: {  	_ =	shalt  }
0x79: {  	_ =	shalt  }
0x7a: {  	_ =	shalt  }
0x7b: {  	_ =	shalt  }
0x7c: {  	_ =	shalt  }
0x7d: {  	_ =	shalt  }
0x7e: {  	_ =	shalt  }
0x7f: {  	_ =	shalt  }
0x80: {  	_ =	shalt  }
0x81: {  	_ =	shalt  }
0x82: {  	_ =	shalt  }
0x83: {  	_ =	shalt  }
0x84: {  	_ =	shalt  }
0x85: {  	_ =	shalt  }
0x86: {  	_ =	shalt  }
0x87: {  	_ =	shalt  }
.Lfunc_end0:
.L_simem_size_0:
called_computation_lowered:
.L_overlay_start_0:
0x88: {  	s2 =	sld [smem:$0x3FD9]  }
0x89: {  	s3 =	sld [smem:$0x3FFE];
	_ =	sdelay $0x1  }
0x8a: {  	s1 =	srdreg.scid  }
0x8b: {  	s0 =	sand.u32 $0x1, s1  }
0x8c: {  	s17 =	sshll.u32 s0, $0xA;
	s2 =	sadd.s32 s3, s2  }
0x8d: {  	s2 =	sadd.s32 s2, s17  }
0x8e: {  	[smem:$0x3FC7] =	sst s2  }
0x8f: {  	_ = 	snop  }
0x90: {  	s2 =	sld [smem:$0x3FD0];
	(tm) =	ssettm $0x1  }
0x91: {  	s18 =	sld [smem:$0x3FFB];
	_ =	sdelay $0x3  }
0x92: {  	_ =	strace s18  }
0x93: {  	s3 =	sld [smem:$0x3FFC];
	_ =	sdelay $0x3  }
0x94: {  	_ =	strace s3  }
0x95: {  	s3 =	sld [smem:$0x3FFD];
	_ =	sdelay $0x3  }
0x96: {  	_ =	strace s3  }
0x97: {  	_ =	strace $0x8FFFFFFF  }
0x98: {  	s19 =	sld [smem:$0x3FDB];
	_ =	sdelay $0x1  }
0x99: {  	s4 =	simm.s32 $_scs_section_size  }
0x9a: {  	s5 =	simm.s32 $_size__tile_overlayer_lowered;
	s6 =	simm.s32 $_tile_overlayer_lowered  }
0x9b: {  	s22 =	simm.s32 $0x1BFF;
	s21 =	sshll.u32 s6, $0x1;
	s3 =	sadd.s32 s4, s19  }
0x9c: {  	s7 =	simm.s32 $0x0;
	s20 =	sshll.u32 s5, $0x1;
	s5 =	sadd.s32 s21, s3  }
0x9d: {  	[timem:s7], [sflag:s22] =	dma.local [hbm:s5], s20  }
0x9e: {  	_ =	swait.ge [sflag:s22], s20  }
0x9f: {  	s4 =	ssub.s32 $0x0, s20;
	[sflag:s22] =	ssyncset.done $0x0  }
0xa0: {  	[sflag:s22] =	ssyncadd.s32 s4;
	_ =	sdelay $0x1  }
0xa1: {  	s23 =	simm.s32 $0x1B8B  }
0xa2: {  	_ =	swait.ge [sflag:s23], $0x1  }
0xa3: {  	[sflag:s23] =	ssyncset.done $0x0  }
0xa4: {  	s25 =	simm.s32 $0x1B8E;
	s24 =	sld [smem:$0x3FFE];
	[sflag:s23] =	ssyncadd.s32 $0xFFFFFFFF  }
0xa5: {  	s26 =	simm.s32 $execute0_lowered;
	[smem:$0x3FD2] =	sst s25  }
0xa6: {  	s5 =	sshll.u32 s26, $0x1;
	_ =	strace $0x80000046;
	[dreg:$0x1] =	wrdreg $0xFFFFFFFF  }
0xa7: {  	s28 =	simm.s32 $_size_execute0_lowered;
	s3 =	sadd.s32 s3, s5;
	[dreg:$0x0] =	wrdreg $0x0  }
0xa8: {  	s5 =	sshll.u32 s28, $0x1;
	[dreg:$0x2] =	wrdreg s3  }
0xa9: {  	[dreg:$0x3] =	wrdreg s5  }
0xaa: {  	[dreg:$0x4] =	wrdreg $0xC0  }
0xab: {  	_ =	task [dreg:s7], $0x5FFFF  }
0xac: {  	[dreg:$0x1] =	wrdreg $0xFFFFFFFF  }
0xad: {  	[dreg:$0x0] =	wrdreg $0x60  }
0xae: {  	[dreg:$0x2] =	wrdreg s2  }
0xaf: {  	[dreg:$0x3] =	wrdreg s24  }
0xb0: {  	[dreg:$0x4] =	wrdreg $0x9  }
0xb1: {  	_ =	task.clear_ibuf [dreg:s7], $0x5FFFF;
	_ =	strace $0x90000046  }
0xb2: {  	s29 =	simm.s32 $0x9;
	_ =	strace $0x80000048  }
0xb3: {  	_ =	swait.ge [sflag:s29], $0x1  }
0xb4: {  	[sflag:s29] =	ssyncadd.s32 $0xFFFFFFFF  }
0xb5: {  	_ =	strace $0x90000048  }
0xb6: {  	_ =	sfence  }
0xb7: {  	s30 =	sld [smem:$0x0];
	_ =	sdelay $0x2  }
0xb8: {  	s31 =	sshll.u32 s1, $0xD;
	s1 =	sshrl.u32 s1, $0x2  }
0xb9: {  	s3 =	sand.u32 $0x4000, s31;
	s1 =	sadd.s32 s1, s30  }
0xba: {  	s0 =	sor.u32 s3, s0;
	s1 =	sshll.u32 s1, $0x11  }
0xbb: {  	s0 =	sor.u32 s1, s0  }
0xbc: {  	s0 =	sadd.s32 $0x8F2B, s0  }
0xbd: {  	[sflag:s0] =	ssyncadd.remote.s32 $0x1  }
0xbe: {  	_ =	sfence.sel $0xFFFF  }
0xbf: {  	[dreg:$0x0] =	wrdreg $0xFFFFFFFF;
	(pc) =	sbr.abs _section_cstart, $3  }
0xc0: {  	[dreg:$0x1] =	wrdreg $0xFFFFFFFF  }
0xc1: {  	_ =	task.clear_ibuf [dreg:s7], $0x2FFFF;
	_ =	strace $0x9FFFFFFF  }
0xc2: {  	(tm) =	ssettm $0x7FFFFFFF  }
0xc3: {  	_ =	shalt  }
tec
execute0_lowered:
.L_overlay_start_1:
0x0: {  	(tag) =	ssettag $0x1  }
0x1: {  	s0 =	srdreg.scid  }
0x2: {  	s6 =	sand.u32 $0x1, s0;
	s0 =	stileid.u32  }
0x3: {  	s3 =	sor.u32 s6, s0  }
0x4: {  	p0 =	sne.s32 s3, $0x0  }
.Ltmp0:
0x5: {  	_ = 	snop;
	(pc) =	sbr.rel @p0 .LBB2_4-.Ltmp0, $4  }
0x6: {  	_ = 	snop  }
0x7: {  	s2 =	rddreg [dreg:$0x0]  }
0x8: {  	s5 =	rddreg [dreg:$0x1]  }
0x9: {  	s1 =	rddreg [dreg:$0x2];
	_ =	strace $0x80000047  }
0xa: {  	s4 =	simm.s32 $0x0;
	s6 =	ssub.s32 $0x2, s6  }
0xb: {  	[tilespmem:s4], [sflag:$0x1] =	stream.linear.gather [hbm4b:s2+s4], $0x400, $0x38;
	[tilespmem:$0x400] =	vst v63  }
0xc: {  	s7 =	sshrl.u32 s6, $0x1  }
0xd: {  	s3 =	simm.s32 $0x1;
	s6 =	ssub.s32 s6, s7  }
0xe: {  	_ =	swait.ge [sflag:s3], $0x400;
	p0 =	sne.s32 s6, $0x1  }
.Ltmp1:
0xf: {  	[sflag:s3] =	ssyncset.done $0x0;
	(pc) =	sbr.rel @!p0 .LBB2_3-.Ltmp1, $4  }
0x10: {  	s5 =	sadd.s32 $0x1000, s5;
	[sflag:s3] =	ssyncadd.s32 $0xFFFFFC00  }
0x11: {  	[hbm4b:s5+s4] =	stream.linear.scatter [tilespmem:s4], [sflag:$0x1], $0x400, $0x38;
	[tilespmem:$0x400] =	vst v63  }
0x12: {  	_ =	swait.ge [sflag:s3], $0x400  }
0x13: {  	s6 =	sadd.s32 $0xFFFFFFFF, s6;
	[sflag:s3] =	ssyncset.done $0x0  }
.LBB2_2:
0x14: {  	p0 =	sne.s32 s6, $0x1;
	s6 =	sadd.s32 $0xFFFFFFFF, s6;
	[sflag:s3] =	ssyncadd.s32 $0xFFFFFC00  }
0x15: {  	[tilespmem:s4], [sflag:$0x1] =	stream.linear.gather [hbm4b:s2+s4], $0x400, $0x38;
	[tilespmem:$0x400] =	vst v63  }
0x16: {  	_ =	swait.ge [sflag:s3], $0x400  }
.Ltmp2:
0x17: {  	[sflag:s3] =	ssyncset.done $0x0;
	(pc) =	sbr.rel @p0 .LBB2_2-.Ltmp2, $4  }
0x18: {  	[sflag:s3] =	ssyncadd.s32 $0xFFFFFC00  }
0x19: {  	[hbm4b:s5+s4] =	stream.linear.scatter [tilespmem:s4], [sflag:$0x1], $0x400, $0x38;
	[tilespmem:$0x400] =	vst v63  }
0x1a: {  	_ =	swait.ge [sflag:s3], $0x400  }
0x1b: {  	[sflag:s3] =	ssyncset.done $0x0  }
.LBB2_3:
0x1c: {  	[sflag:s3] =	ssyncadd.s32 $0xFFFFFC00  }
.LBB2_4:
0x1d: {  	_ =	sfence.sel $0x180000  }
0x1e: {  	[bflag:$0x0] =	sbarrier.arrive $0xFFFF  }
0x1f: {  	p0 =	sne.s32 s0, $0x0;
	_ =	strace $0x90000047  }
0x20: {  	s0 =	sadd.s32 @!p0 $0x100000, s1;
	[bflag:$0x2] =	sbarrier.arrive $0xFFFF  }
0x21: {  	[sflag:s0] =	ssyncadd.tile.s32 @!p0 $0x1;
	_ =	shalt  }
.Lfunc_end2:
_tile_overlayer_lowered:
.L_overlay_start_2:
0x22: {  	(tag) =	ssettag $0x2  }
0x23: {  	s0 =	rddreg [dreg:$0x0];
	s2 =	stileid.u32  }
0x24: {  	s1 =	rddreg [dreg:$0x1];
	p0 =	sne.s32 s2, $0x0  }
0x25: {  	s3 =	rddreg [dreg:$0x2];
	[bflag:$0x3] =	sbarrier.arrive $0xFFFF;
	s2 =	simm.s32 @!p0 $0x1C01  }
0x26: {  	[timem:s3], [sflag:s2] =	dma.local @!p0 [hbm:s0], s1  }
0x27: {  	s0 =	simm.s32 @!p0 $0x1  }
0x28: {  	_ =	swait.ge @!p0 [sflag:s0], s1  }
0x29: {  	s1 =	ssub.s32 @!p0 $0x0, s1;
	[sflag:s0] =	ssyncset.done @!p0 $0x0  }
0x2a: {  	[sflag:s0] =	ssyncadd.s32 @!p0 s1  }
0x2b: {  	[bflag:$0x3] =	sbarrier.arrive $0xFFFF  }
0x2c: {  	_ =	shalt  }

// kernel: _probe_kernel.9.cloned.1.call-start
scs
__scs_entry_jumppad:
0x0: {  	(pc) =	sbr.rel $0x88, $3  }
0x1: {  	(tag) =	ssettag $0x0;
	lr =	simm.s32 $0x1  }
0x2: {  	[smem:$0x3FA0] =	sst lr;
	_ =	strace $0xD0000000  }
0x3: {  	_ = 	snop  }
0x4: {  	_ = 	snop  }
0x5: {  	_ = 	snop  }
0x6: {  	_ = 	snop  }
0x7: {  	_ = 	snop  }
__scs_overlays_trampoline_lowered:
0x8: {  	[smem:$0x3FAF] =	sst s0  }
0x9: {  	[smem:$0x3FB0] =	sst s1  }
0xa: {  	[smem:$0x3FB1] =	sst s2  }
0xb: {  	[smem:$0x3FB2] =	sst s3  }
0xc: {  	[smem:$0x3FB3] =	sst s4  }
0xd: {  	[smem:$0x3FB4] =	sst s5  }
0xe: {  	[smem:$0x3FB5] =	sst s6  }
0xf: {  	[smem:$0x3FB6] =	sst s7  }
0x10: {  	[smem:$0x3FB7] =	sst s8  }
0x11: {  	[smem:$0x3FB8] =	sst s9;
	s0 =	simm.s32 @!p0 $0x0  }
0x12: {  	s1 =	sld [smem:$0x3F9E];
	s0 =	simm.s32 @p0 $0x1  }
0x13: {  	[smem:$0x3FB9] =	sst s0;
	s0 =	simm.s32 @!p1 $0x0  }
0x14: {  	s2 =	sld [smem:$0x3F9D];
	s0 =	simm.s32 @p1 $0x1  }
0x15: {  	[smem:$0x3FBA] =	sst s0;
	s0 =	simm.s32 @!p2 $0x0  }
0x16: {  	s3 =	sld [smem:$0x3FDB];
	s0 =	simm.s32 @p2 $0x1  }
0x17: {  	s4 =	simm.s32 $0x1BF5;
	[smem:$0x3FBC] =	sst s0  }
0x18: {  	s0 =	sld [smem:$0x3F9F];
	_ =	swait.ge [sflag:s4], $0x0  }
0x19: {  	s7 =	sld [smem:$0x3FA0]  }
0x1a: {  	s8 =	sadd.s32 $0xFFFFE003, lr  }
0x1b: {  	s9 =	sadd.s32 $0xFFFFFEF7, lr;
	s5 =	simm.s32 $0xFFFFFFFF;
	p2 =	slt.u32 s8, $0xFFFFF086  }
0x1c: {  	p1 =	slt.u32 s9, $0xF7A;
	s5 =	simm.s32 @!p2 $0x0  }
0x1d: {  	s5 =	simm.s32 @p1 $0x1;
	p0 =	seq.s32 s7, s2  }
0x1e: {  	s7 =	smul.u32 @!p0 $0xF7A, s2;
	p2 =	seq.s32 @!p0 s5, $0x0  }
0x1f: {  	s9 =	smul.u32 $0xF7A, s1;
	s8 =	simm.s32 @!p0 $0x1BF5;
	p2 =	por !p2, p0  }
0x20: {  	[sflag:s8] =	ssyncset.s32 @!p0 $0xFFFFF086;
	s6 =	sadd.s32 @!p0 s3, s7;
	s7 =	simm.s32 @!p0 $0x108  }
0x21: {  	s3 =	sadd.s32 s3, s9;
	s6 =	sadd.s32 @!p0 $0x88, s6;
	s7 =	simm.s32 @p2 $0x1082  }
0x22: {  	[simem:s7], [sflag:s8] =	dma.local @!p0 [hbm:s6], $0xF7A  }
0x23: {  	s9 =	sor.u32 $0xD0000000, s2;
	s6 =	simm.s32 $0x108;
	_ =	swait.ge @!p0 [sflag:s8], $0x0  }
0x24: {  	s3 =	sadd.s32 $0x88, s3;
	s6 =	simm.s32 @!p1 $0x1082;
	[sflag:s4] =	ssyncset.s32 $0xFFFFF086  }
0x25: {  	[simem:s6], [sflag:s4] =	dma.local [hbm:s3], $0xF7A  }
0x26: {  	[smem:$0x3FA0] =	sst s1;
	(tag) =	ssettag s2;
	_ =	strace s9  }
0x27: {  	s1 =	sld [smem:$0x3FB0]  }
0x28: {  	s2 =	sld [smem:$0x3FB1]  }
0x29: {  	s4 =	sld [smem:$0x3FB3]  }
0x2a: {  	p0 =	seq.s32 s5, $0x0;
	s5 =	sld [smem:$0x3FB4]  }
0x2b: {  	s6 =	sld [smem:$0x3FB5]  }
0x2c: {  	s7 =	sld [smem:$0x3FB6]  }
0x2d: {  	s3 =	simm.s32 $0x108;
	s8 =	sld [smem:$0x3FB7]  }
0x2e: {  	s3 =	simm.s32 @!p0 $0x1082;
	s9 =	sld [smem:$0x3FB8]  }
0x2f: {  	lr =	sadd.s32 s0, s3;
	s0 =	sld [smem:$0x3FAF]  }
0x30: {  	s3 =	sld [smem:$0x3FB2]  }
0x31: {  	[smem:$0x3FBB] =	sst s10  }
0x32: {  	s10 =	sld [smem:$0x3FB9];
	_ =	sdelay $0x3  }
0x33: {  	p0 =	seq.s32 s10, $0x1;
	s10 =	sld [smem:$0x3FBB];
	_ =	sdelay $0x3  }
0x34: {  	[smem:$0x3FBB] =	sst s10  }
0x35: {  	s10 =	sld [smem:$0x3FBA];
	_ =	sdelay $0x3  }
0x36: {  	p1 =	seq.s32 s10, $0x1;
	s10 =	sld [smem:$0x3FBB];
	_ =	sdelay $0x3  }
0x37: {  	[smem:$0x3FBB] =	sst s10  }
0x38: {  	s10 =	sld [smem:$0x3FBC]  }
0x39: {  	_ = 	snop;
	(pc) =	sbr.ind lr, $3  }
0x3a: {  	_ = 	snop  }
0x3b: {  	_ = 	snop  }
0x3c: {  	p2 =	seq.s32 s10, $0x1;
	s10 =	sld [smem:$0x3FBB]  }
0x3d: {  	_ =	shalt  }
0x3e: {  	_ =	shalt  }
0x3f: {  	_ =	shalt  }
0x40: {  	_ =	shalt  }
0x41: {  	_ =	shalt  }
0x42: {  	_ =	shalt  }
0x43: {  	_ =	shalt  }
0x44: {  	_ =	shalt  }
0x45: {  	_ =	shalt  }
0x46: {  	_ =	shalt  }
0x47: {  	_ =	shalt  }
0x48: {  	_ =	shalt  }
0x49: {  	_ =	shalt  }
0x4a: {  	_ =	shalt  }
0x4b: {  	_ =	shalt  }
0x4c: {  	_ =	shalt  }
0x4d: {  	_ =	shalt  }
0x4e: {  	_ =	shalt  }
0x4f: {  	_ =	shalt  }
0x50: {  	_ =	shalt  }
0x51: {  	_ =	shalt  }
0x52: {  	_ =	shalt  }
0x53: {  	_ =	shalt  }
0x54: {  	_ =	shalt  }
0x55: {  	_ =	shalt  }
0x56: {  	_ =	shalt  }
0x57: {  	_ =	shalt  }
0x58: {  	_ =	shalt  }
0x59: {  	_ =	shalt  }
0x5a: {  	_ =	shalt  }
0x5b: {  	_ =	shalt  }
0x5c: {  	_ =	shalt  }
0x5d: {  	_ =	shalt  }
0x5e: {  	_ =	shalt  }
0x5f: {  	_ =	shalt  }
0x60: {  	_ =	shalt  }
0x61: {  	_ =	shalt  }
0x62: {  	_ =	shalt  }
0x63: {  	_ =	shalt  }
0x64: {  	_ =	shalt  }
0x65: {  	_ =	shalt  }
0x66: {  	_ =	shalt  }
0x67: {  	_ =	shalt  }
0x68: {  	_ =	shalt  }
0x69: {  	_ =	shalt  }
0x6a: {  	_ =	shalt  }
0x6b: {  	_ =	shalt  }
0x6c: {  	_ =	shalt  }
0x6d: {  	_ =	shalt  }
0x6e: {  	_ =	shalt  }
0x6f: {  	_ =	shalt  }
0x70: {  	_ =	shalt  }
0x71: {  	_ =	shalt  }
0x72: {  	_ =	shalt  }
0x73: {  	_ =	shalt  }
0x74: {  	_ =	shalt  }
0x75: {  	_ =	shalt  }
0x76: {  	_ =	shalt  }
0x77: {  	_ =	shalt  }
0x78: {  	_ =	shalt  }
0x79: {  	_ =	shalt  }
0x7a: {  	_ =	shalt  }
0x7b: {  	_ =	shalt  }
0x7c: {  	_ =	shalt  }
0x7d: {  	_ =	shalt  }
0x7e: {  	_ =	shalt  }
0x7f: {  	_ =	shalt  }
0x80: {  	_ =	shalt  }
0x81: {  	_ =	shalt  }
0x82: {  	_ =	shalt  }
0x83: {  	_ =	shalt  }
0x84: {  	_ =	shalt  }
0x85: {  	_ =	shalt  }
0x86: {  	_ =	shalt  }
0x87: {  	_ =	shalt  }
.Lfunc_end0:
.L_simem_size_0:
called_computation.1_lowered:
.L_overlay_start_0:
0x88: {  	s2 =	sld [smem:$0x3FD9]  }
0x89: {  	s3 =	sld [smem:$0x3FFE];
	_ =	sdelay $0x1  }
0x8a: {  	s1 =	srdreg.scid  }
0x8b: {  	s0 =	sand.u32 $0x1, s1  }
0x8c: {  	s17 =	sshll.u32 s0, $0xA;
	s2 =	sadd.s32 s3, s2  }
0x8d: {  	s2 =	sadd.s32 s2, s17  }
0x8e: {  	[smem:$0x3FC7] =	sst s2  }
0x8f: {  	_ = 	snop  }
0x90: {  	s2 =	sld [smem:$0x3FD0];
	(tm) =	ssettm $0x1  }
0x91: {  	s18 =	sld [smem:$0x3FFB];
	_ =	sdelay $0x3  }
0x92: {  	_ =	strace s18  }
0x93: {  	s3 =	sld [smem:$0x3FFC];
	_ =	sdelay $0x3  }
0x94: {  	_ =	strace s3  }
0x95: {  	s3 =	sld [smem:$0x3FFD];
	_ =	sdelay $0x3  }
0x96: {  	_ =	strace s3  }
0x97: {  	_ =	strace $0x8FFFFFFF  }
0x98: {  	s19 =	sld [smem:$0x3FDB];
	_ =	sdelay $0x1  }
0x99: {  	s4 =	simm.s32 $_scs_section_size  }
0x9a: {  	s5 =	simm.s32 $_size__tile_overlayer_lowered;
	s6 =	simm.s32 $_tile_overlayer_lowered  }
0x9b: {  	s22 =	simm.s32 $0x1BFF;
	s21 =	sshll.u32 s6, $0x1;
	s3 =	sadd.s32 s4, s19  }
0x9c: {  	s7 =	simm.s32 $0x0;
	s20 =	sshll.u32 s5, $0x1;
	s5 =	sadd.s32 s21, s3  }
0x9d: {  	[timem:s7], [sflag:s22] =	dma.local [hbm:s5], s20  }
0x9e: {  	_ =	swait.ge [sflag:s22], s20  }
0x9f: {  	s4 =	ssub.s32 $0x0, s20;
	[sflag:s22] =	ssyncset.done $0x0  }
0xa0: {  	[sflag:s22] =	ssyncadd.s32 s4;
	_ =	sdelay $0x1  }
0xa1: {  	s23 =	simm.s32 $0x1B8B  }
0xa2: {  	_ =	swait.ge [sflag:s23], $0x1  }
0xa3: {  	[sflag:s23] =	ssyncset.done $0x0  }
0xa4: {  	s25 =	simm.s32 $0x1B8E;
	s24 =	sld [smem:$0x3FFE];
	[sflag:s23] =	ssyncadd.s32 $0xFFFFFFFF  }
0xa5: {  	s26 =	simm.s32 $execute0_lowered;
	[smem:$0x3FD2] =	sst s25  }
0xa6: {  	s5 =	sshll.u32 s26, $0x1;
	_ =	strace $0x80000049;
	[dreg:$0x1] =	wrdreg $0xFFFFFFFF  }
0xa7: {  	s28 =	simm.s32 $_size_execute0_lowered;
	s3 =	sadd.s32 s3, s5;
	[dreg:$0x0] =	wrdreg $0x0  }
0xa8: {  	s5 =	sshll.u32 s28, $0x1;
	[dreg:$0x2] =	wrdreg s3  }
0xa9: {  	[dreg:$0x3] =	wrdreg s5  }
0xaa: {  	[dreg:$0x4] =	wrdreg $0xC0  }
0xab: {  	_ =	task [dreg:s7], $0x5FFFF  }
0xac: {  	[dreg:$0x1] =	wrdreg $0xFFFFFFFF  }
0xad: {  	[dreg:$0x0] =	wrdreg $0x60  }
0xae: {  	[dreg:$0x2] =	wrdreg s24  }
0xaf: {  	[dreg:$0x3] =	wrdreg s2  }
0xb0: {  	[dreg:$0x4] =	wrdreg $0x9  }
0xb1: {  	_ =	task.clear_ibuf [dreg:s7], $0x5FFFF;
	_ =	strace $0x90000049  }
0xb2: {  	s29 =	simm.s32 $0x9;
	_ =	strace $0x8000004B  }
0xb3: {  	_ =	swait.ge [sflag:s29], $0x1  }
0xb4: {  	[sflag:s29] =	ssyncadd.s32 $0xFFFFFFFF  }
0xb5: {  	_ =	strace $0x9000004B  }
0xb6: {  	_ =	sfence  }
0xb7: {  	s30 =	sld [smem:$0x0];
	_ =	sdelay $0x2  }
0xb8: {  	s31 =	sshll.u32 s1, $0xD;
	s1 =	sshrl.u32 s1, $0x2  }
0xb9: {  	s3 =	sand.u32 $0x4000, s31;
	s1 =	sadd.s32 s1, s30  }
0xba: {  	s0 =	sor.u32 s3, s0;
	s1 =	sshll.u32 s1, $0x11  }
0xbb: {  	s0 =	sor.u32 s1, s0  }
0xbc: {  	s0 =	sadd.s32 $0x8F2B, s0  }
0xbd: {  	[sflag:s0] =	ssyncadd.remote.s32 $0x1  }
0xbe: {  	_ =	sfence.sel $0xFFFF  }
0xbf: {  	[dreg:$0x0] =	wrdreg $0xFFFFFFFF;
	(pc) =	sbr.abs _section_cstart, $3  }
0xc0: {  	[dreg:$0x1] =	wrdreg $0xFFFFFFFF  }
0xc1: {  	_ =	task.clear_ibuf [dreg:s7], $0x2FFFF;
	_ =	strace $0x9FFFFFFF  }
0xc2: {  	(tm) =	ssettm $0x7FFFFFFF  }
0xc3: {  	_ =	shalt  }
tec
execute0_lowered:
.L_overlay_start_1:
0x0: {  	(tag) =	ssettag $0x1  }
0x1: {  	s0 =	srdreg.scid  }
0x2: {  	s6 =	sand.u32 $0x1, s0;
	s0 =	stileid.u32  }
0x3: {  	s4 =	sor.u32 s6, s0  }
0x4: {  	p0 =	sne.s32 s4, $0x0  }
.Ltmp0:
0x5: {  	_ = 	snop;
	(pc) =	sbr.rel @p0 .LBB2_4-.Ltmp0, $4  }
0x6: {  	_ = 	snop  }
0x7: {  	s3 =	rddreg [dreg:$0x0]  }
0x8: {  	s2 =	rddreg [dreg:$0x1]  }
0x9: {  	s1 =	rddreg [dreg:$0x2];
	_ =	strace $0x8000004A  }
0xa: {  	s3 =	sadd.s32 $0x1000, s3;
	s5 =	simm.s32 $0x0;
	s6 =	ssub.s32 $0x2, s6  }
0xb: {  	[tilespmem:s5], [sflag:$0x1] =	stream.linear.gather [hbm4b:s3+s5], $0x400, $0x38;
	[tilespmem:$0x400] =	vst v63  }
0xc: {  	s7 =	sshrl.u32 s6, $0x1  }
0xd: {  	s4 =	simm.s32 $0x1;
	s6 =	ssub.s32 s6, s7  }
0xe: {  	_ =	swait.ge [sflag:s4], $0x400;
	p0 =	sne.s32 s6, $0x1  }
.Ltmp1:
0xf: {  	[sflag:s4] =	ssyncset.done $0x0;
	(pc) =	sbr.rel @!p0 .LBB2_3-.Ltmp1, $4  }
0x10: {  	[sflag:s4] =	ssyncadd.s32 $0xFFFFFC00  }
0x11: {  	[hbm4b:s2+s5] =	stream.linear.scatter [tilespmem:s5], [sflag:$0x1], $0x400, $0x38;
	[tilespmem:$0x400] =	vst v63  }
0x12: {  	_ =	swait.ge [sflag:s4], $0x400  }
0x13: {  	s6 =	sadd.s32 $0xFFFFFFFF, s6;
	[sflag:s4] =	ssyncset.done $0x0  }
.LBB2_2:
0x14: {  	p0 =	sne.s32 s6, $0x1;
	s6 =	sadd.s32 $0xFFFFFFFF, s6;
	[sflag:s4] =	ssyncadd.s32 $0xFFFFFC00  }
0x15: {  	[tilespmem:s5], [sflag:$0x1] =	stream.linear.gather [hbm4b:s3+s5], $0x400, $0x38;
	[tilespmem:$0x400] =	vst v63  }
0x16: {  	_ =	swait.ge [sflag:s4], $0x400  }
.Ltmp2:
0x17: {  	[sflag:s4] =	ssyncset.done $0x0;
	(pc) =	sbr.rel @p0 .LBB2_2-.Ltmp2, $4  }
0x18: {  	[sflag:s4] =	ssyncadd.s32 $0xFFFFFC00  }
0x19: {  	[hbm4b:s2+s5] =	stream.linear.scatter [tilespmem:s5], [sflag:$0x1], $0x400, $0x38;
	[tilespmem:$0x400] =	vst v63  }
0x1a: {  	_ =	swait.ge [sflag:s4], $0x400  }
0x1b: {  	[sflag:s4] =	ssyncset.done $0x0  }
.LBB2_3:
0x1c: {  	[sflag:s4] =	ssyncadd.s32 $0xFFFFFC00  }
.LBB2_4:
0x1d: {  	_ =	sfence.sel $0x180000  }
0x1e: {  	[bflag:$0x0] =	sbarrier.arrive $0xFFFF  }
0x1f: {  	p0 =	sne.s32 s0, $0x0;
	_ =	strace $0x9000004A  }
0x20: {  	s0 =	sadd.s32 @!p0 $0x100000, s1;
	[bflag:$0x2] =	sbarrier.arrive $0xFFFF  }
0x21: {  	[sflag:s0] =	ssyncadd.tile.s32 @!p0 $0x1;
	_ =	shalt  }
.Lfunc_end2:
_tile_overlayer_lowered:
.L_overlay_start_2:
0x22: {  	(tag) =	ssettag $0x2  }
0x23: {  	s0 =	rddreg [dreg:$0x0];
	s2 =	stileid.u32  }
0x24: {  	s1 =	rddreg [dreg:$0x1];
	p0 =	sne.s32 s2, $0x0  }
0x25: {  	s3 =	rddreg [dreg:$0x2];
	[bflag:$0x3] =	sbarrier.arrive $0xFFFF;
	s2 =	simm.s32 @!p0 $0x1C01  }
0x26: {  	[timem:s3], [sflag:s2] =	dma.local @!p0 [hbm:s0], s1  }
0x27: {  	s0 =	simm.s32 @!p0 $0x1  }
0x28: {  	_ =	swait.ge @!p0 [sflag:s0], s1  }
0x29: {  	s1 =	ssub.s32 @!p0 $0x0, s1;
	[sflag:s0] =	ssyncset.done @!p0 $0x0  }
0x2a: {  	[sflag:s0] =	ssyncadd.s32 @!p0 s1  }
0x2b: {  	[bflag:$0x3] =	sbarrier.arrive $0xFFFF  }
0x2c: {  	_ =	shalt  }

</sc_bundles>
